<compile_context>
chip_gen: v7x
topology: tpu7x:2x2x1
jax: 0.10.2.dev20260603
libtpu: 0.0.44.dev20260713+nightly
codegen_flags: <defaults>
</compile_context>

<pallas_src>
import jax
import jax.numpy as jnp
from jax import lax
from jax.experimental import pallas as pl
from jax.experimental.pallas import tpu as pltpu
from jax.experimental.pallas import tpu_sc as plsc

STATE_NUM = 100000
B = 16384
D = 128
N = 4
ROW = D * N
L = 16
NC, NS = 2, 16
NW = NC * NS
BPW = B // NW
C = 16
NCH = BPW // C
RING = 6
JV = ROW // L


def _body(e1_hbm, e2_hbm, xidx_hbm, yidx_hbm, out_hbm,
          xidx_v, yidx_v, rbuf1, rbuf2, accs_v, out_v, sems1, sems2):
  wid = lax.axis_index("s") * NC + lax.axis_index("c")
  base = wid * BPW

  pltpu.sync_copy(xidx_hbm.at[pl.ds(base, BPW)], xidx_v)
  pltpu.sync_copy(yidx_hbm.at[pl.ds(base, BPW)], yidx_v)

  def issue(g, slot):
    pltpu.make_async_copy(e1_hbm.at[xidx_v.at[pl.ds(g * C, C)]],
                          rbuf1.at[slot], sems1.at[slot]).start()
    pltpu.make_async_copy(e2_hbm.at[yidx_v.at[pl.ds(g * C, C)]],
                          rbuf2.at[slot], sems2.at[slot]).start()

  def wait_chunk(g, slot):
    pltpu.make_async_copy(e1_hbm.at[xidx_v.at[pl.ds(g * C, C)]],
                          rbuf1.at[slot], sems1.at[slot]).wait()
    pltpu.make_async_copy(e2_hbm.at[yidx_v.at[pl.ds(g * C, C)]],
                          rbuf2.at[slot], sems2.at[slot]).wait()

  for s in range(RING - 1):
    issue(s, s)

  def g_body(g, slot):
    wait_chunk(g, slot)

    def row_body(r, c2):
      acc = rbuf1[slot, r, pl.ds(0, L)] * rbuf2[slot, r, pl.ds(0, L)]
      for j in range(1, JV):
        acc = acc + (rbuf1[slot, r, pl.ds(j * L, L)]
                     * rbuf2[slot, r, pl.ds(j * L, L)])
      accs_v[pl.ds((g * C + r) * L, L)] = acc
      return c2

    lax.fori_loop(0, C, row_body, 0)

    s5 = slot - 1
    s5 = lax.select(s5 < 0, s5 + RING, s5)

    @pl.when(g + RING - 1 < NCH)
    def _():
      issue(g + RING - 1, s5)

    nxt = slot + 1
    return lax.select(nxt >= RING, nxt - RING, nxt)

  lax.fori_loop(0, NCH, g_body, 0)

  iota = lax.iota(jnp.int32, L)
  basev = lax.shift_left(lax.shift_right_logical(iota, 2), 4) + (iota & 3)

  def fold_body(t, carry):
    idx0 = basev + t * (N * L)
    v = plsc.load_gather(accs_v, [idx0])
    v = v + plsc.load_gather(accs_v, [idx0 + N])
    v = v + plsc.load_gather(accs_v, [idx0 + 2 * N])
    v = v + plsc.load_gather(accs_v, [idx0 + 3 * N])
    out_v[pl.ds(t * L, L)] = v
    return carry

  lax.fori_loop(0, BPW * N // L, fold_body, 0)

  pltpu.sync_copy(out_v, out_hbm.at[pl.ds(wid * BPW * N, BPW * N)])


_mesh = plsc.VectorSubcoreMesh(core_axis_name="c", subcore_axis_name="s",
                               num_cores=NC, num_subcores=NS)

_call = pl.kernel(
    _body,
    out_type=jax.ShapeDtypeStruct((B * N,), jnp.float32),
    mesh=_mesh,
    compiler_params=pltpu.CompilerParams(needs_layout_passes=False),
    scratch_types=[
        pltpu.VMEM((BPW,), jnp.int32),
        pltpu.VMEM((BPW,), jnp.int32),
        pltpu.VMEM((RING, C, ROW), jnp.float32),
        pltpu.VMEM((RING, C, ROW), jnp.float32),
        pltpu.VMEM((BPW * L,), jnp.float32),
        pltpu.VMEM((BPW * N,), jnp.float32),
        pltpu.SemaphoreType.DMA((RING,)),
        pltpu.SemaphoreType.DMA((RING,)),
    ],
)


@jax.jit
def kernel(state, embedding_1, embedding_2):
  x = state[:, 0]
  y = state[:, 1]
  e1 = embedding_1.reshape(STATE_NUM, ROW)
  e2 = embedding_2.reshape(STATE_NUM, ROW)
  out = _call(e1, e2, x, y)
  return out.reshape(B, N)

# --- scband reference (transcript-rebuilt; emitter-appended) ---
"""Pipeline reference for scband-qnetwork-84636625535205 (READ-ONLY COPY).

The authoritative reference and input builder live on the scoring server;
editing this copy changes nothing except your own understanding.
"""

import jax, jax.numpy as jnp
import numpy as np

STATE_NUM = 100000
BATCH = 16384
D = 128
N = 4

def _xavier_normal(key, shape):
    # torch xavier_normal_ on a 3D tensor [n0, n1, n2]: fan_in = n1*n2, fan_out = n0*n2
    fan_in = shape[1] * shape[2]
    fan_out = shape[0] * shape[2]
    std = float(np.sqrt(2.0 / (fan_in + fan_out)))
    return jax.random.normal(key, shape, dtype=jnp.float32) * std

def setup_inputs(seed: int = 0) -> dict:
    key = jax.random.key(seed)
    k1, k2, k3 = jax.random.split(key, 3)
    state = jax.random.randint(k1, (BATCH, 2), 0, STATE_NUM, dtype=jnp.int32)
    embedding_1 = _xavier_normal(k2, (STATE_NUM, D, N))
    embedding_2 = _xavier_normal(k3, (STATE_NUM, D, N))
    return {"state": state, "embedding_1": embedding_1, "embedding_2": embedding_2}

def reference(state, embedding_1, embedding_2):
    # state: int[B, 2] -> gather rows from two embedding tables, contract over d
    x = state[:, 0]
    y = state[:, 1]
    x_h = jnp.take(embedding_1, x, axis=0)  # [B, 128, 4]
    y_h = jnp.take(embedding_2, y, axis=0)  # [B, 128, 4]
    return jnp.einsum('bdn,bdn->bn', x_h, y_h)  # [B, 4]

if __name__ == "__main__":
    import jax
    _d = setup_inputs()
    print(jax.jit(kernel)(*tuple(_d.values())))

</pallas_src>

<mosaic_0001>
#map = affine_map<(d0, d1) -> (0, 0)>
#map1 = affine_map<(d0, d1) -> (0)>
module attributes {stable_mosaic.version = 14 : i64} {
  func.func @_body(%arg0: i32, %arg1: i32, %arg2: memref<100000x512xf32, #tpu.memory_space<hbm>>, %arg3: memref<100000x512xf32, #tpu.memory_space<hbm>>, %arg4: memref<16384xi32, #tpu.memory_space<hbm>>, %arg5: memref<16384xi32, #tpu.memory_space<hbm>>, %arg6: memref<65536xf32, #tpu.memory_space<hbm>>, %arg7: memref<512xi32, #tpu.memory_space<vmem>>, %arg8: memref<512xi32, #tpu.memory_space<vmem>>, %arg9: memref<6x16x512xf32, #tpu.memory_space<vmem>>, %arg10: memref<6x16x512xf32, #tpu.memory_space<vmem>>, %arg11: memref<8192xf32, #tpu.memory_space<vmem>>, %arg12: memref<2048xf32, #tpu.memory_space<vmem>>, %arg13: memref<6x!tpu.dma_semaphore, #tpu.memory_space<semaphore_mem>>, %arg14: memref<6x!tpu.dma_semaphore, #tpu.memory_space<semaphore_mem>>) attributes {dimension_semantics = [#tpu.dimension_semantics<core_parallel>, #tpu.dimension_semantics<subcore_parallel>], iteration_bounds = array<i64: 2, 16>, scalar_prefetch = 0 : i64, scratch_operands = 8 : i64, tpu.core_type = #tpu.core_type<sc_vector_subcore>, window_params = [{transform_indices = #map}, {transform_indices = #map}, {transform_indices = #map1}, {transform_indices = #map1}, {transform_indices = #map1}]} {
    %mul3A = arith.constant 2 : i32
    %mul3A_0 = arith.muli %arg1, %mul3A : i32
    %add3A = arith.addi %mul3A_0, %arg0 : i32
    %mul3A_1 = arith.constant 512 : i32
    %mul3A_2 = arith.muli %add3A, %mul3A_1 : i32
    "tpu.region"() ({
      %run_scoped3A = tpu.sem_alloc : memref<!tpu.dma_semaphore, #tpu.memory_space<semaphore_mem>>
      %dma_start3A_155 = tpu.memref_slice %arg4[%mul3A_2] : memref<16384xi32, #tpu.memory_space<hbm>> -> memref<512xi32, #tpu.memory_space<hbm>>
      %dma_start3A_156 = tpu.memref_slice %arg4[%mul3A_2] : memref<16384xi32, #tpu.memory_space<hbm>> -> memref<512xi32, #tpu.memory_space<hbm>>
      tpu.enqueue_dma source(%dma_start3A_156 : memref<512xi32, #tpu.memory_space<hbm>>) target(%arg7 : memref<512xi32, #tpu.memory_space<vmem>>) target_semaphore(%run_scoped3A : memref<!tpu.dma_semaphore, #tpu.memory_space<semaphore_mem>>)
      %dma_wait3A = tpu.memref_slice %arg4[%mul3A_2] : memref<16384xi32, #tpu.memory_space<hbm>> -> memref<512xi32, #tpu.memory_space<hbm>>
      %dma_wait3A_157 = tpu.memref_slice %arg4[%mul3A_2] : memref<16384xi32, #tpu.memory_space<hbm>> -> memref<512xi32, #tpu.memory_space<hbm>>
      tpu.wait_dma2 semaphore(%run_scoped3A : memref<!tpu.dma_semaphore, #tpu.memory_space<semaphore_mem>>) src(%dma_wait3A_157 : memref<512xi32, #tpu.memory_space<hbm>>) dst(%arg7 : memref<512xi32, #tpu.memory_space<vmem>>)
      tpu.yield
    }) : () -> ()
    "tpu.region"() ({
      %run_scoped3A = tpu.sem_alloc : memref<!tpu.dma_semaphore, #tpu.memory_space<semaphore_mem>>
      %dma_start3A_155 = tpu.memref_slice %arg5[%mul3A_2] : memref<16384xi32, #tpu.memory_space<hbm>> -> memref<512xi32, #tpu.memory_space<hbm>>
      %dma_start3A_156 = tpu.memref_slice %arg5[%mul3A_2] : memref<16384xi32, #tpu.memory_space<hbm>> -> memref<512xi32, #tpu.memory_space<hbm>>
      tpu.enqueue_dma source(%dma_start3A_156 : memref<512xi32, #tpu.memory_space<hbm>>) target(%arg8 : memref<512xi32, #tpu.memory_space<vmem>>) target_semaphore(%run_scoped3A : memref<!tpu.dma_semaphore, #tpu.memory_space<semaphore_mem>>)
      %dma_wait3A = tpu.memref_slice %arg5[%mul3A_2] : memref<16384xi32, #tpu.memory_space<hbm>> -> memref<512xi32, #tpu.memory_space<hbm>>
      %dma_wait3A_157 = tpu.memref_slice %arg5[%mul3A_2] : memref<16384xi32, #tpu.memory_space<hbm>> -> memref<512xi32, #tpu.memory_space<hbm>>
      tpu.wait_dma2 semaphore(%run_scoped3A : memref<!tpu.dma_semaphore, #tpu.memory_space<semaphore_mem>>) src(%dma_wait3A_157 : memref<512xi32, #tpu.memory_space<hbm>>) dst(%arg8 : memref<512xi32, #tpu.memory_space<vmem>>)
      tpu.yield
    }) : () -> ()
    %dma_start3A = arith.constant 0 : i32
    %dma_start3A_3 = arith.constant 0 : i32
    %dma_start3A_4 = arith.constant 0 : i32
    %dma_start3A_5 = arith.constant 0 : i32
    %dma_start3A_6 = tpu.memref_slice %arg9[%dma_start3A, %dma_start3A_4, %dma_start3A_5] : memref<6x16x512xf32, #tpu.memory_space<vmem>> -> memref<1x16x512xf32, #tpu.memory_space<vmem>>
    %dma_start3A_7 = tpu.memref_squeeze %dma_start3A_6 : memref<1x16x512xf32, #tpu.memory_space<vmem>> -> memref<16x512xf32, #tpu.memory_space<vmem>>
    %dma_start3A_8 = arith.constant 0 : i32
    %dma_start3A_9 = tpu.memref_slice %arg7[%dma_start3A_8] : memref<512xi32, #tpu.memory_space<vmem>> -> memref<16xi32, #tpu.memory_space<vmem>>
    %dma_start3A_10 = arith.constant 0 : i32
    %dma_start3A_11 = arith.constant 0 : i32
    %dma_start3A_12 = tpu.memref_slice %arg2[%dma_start3A_10, %dma_start3A_11] : memref<100000x512xf32, #tpu.memory_space<hbm>> -> memref<100000x512xf32, #tpu.memory_space<hbm>>
    %dma_start3A_13 = tpu.memref_slice %arg13[%dma_start3A_3] : memref<6x!tpu.dma_semaphore, #tpu.memory_space<semaphore_mem>> -> memref<1x!tpu.dma_semaphore, #tpu.memory_space<semaphore_mem>>
    %dma_start3A_14 = tpu.memref_squeeze %dma_start3A_13 : memref<1x!tpu.dma_semaphore, #tpu.memory_space<semaphore_mem>> -> memref<!tpu.dma_semaphore, #tpu.memory_space<semaphore_mem>>
    tpu.enqueue_indirect_dma source(%dma_start3A_12 : memref<100000x512xf32, #tpu.memory_space<hbm>>) target(%dma_start3A_7 : memref<16x512xf32, #tpu.memory_space<vmem>>) offsets(%dma_start3A_9 : memref<16xi32, #tpu.memory_space<vmem>>) semaphore(%dma_start3A_14 : memref<!tpu.dma_semaphore, #tpu.memory_space<semaphore_mem>>)
    %dma_start3A_15 = arith.constant 0 : i32
    %dma_start3A_16 = arith.constant 0 : i32
    %dma_start3A_17 = arith.constant 0 : i32
    %dma_start3A_18 = arith.constant 0 : i32
    %dma_start3A_19 = tpu.memref_slice %arg10[%dma_start3A_15, %dma_start3A_17, %dma_start3A_18] : memref<6x16x512xf32, #tpu.memory_space<vmem>> -> memref<1x16x512xf32, #tpu.memory_space<vmem>>
    %dma_start3A_20 = tpu.memref_squeeze %dma_start3A_19 : memref<1x16x512xf32, #tpu.memory_space<vmem>> -> memref<16x512xf32, #tpu.memory_space<vmem>>
    %dma_start3A_21 = arith.constant 0 : i32
    %dma_start3A_22 = tpu.memref_slice %arg8[%dma_start3A_21] : memref<512xi32, #tpu.memory_space<vmem>> -> memref<16xi32, #tpu.memory_space<vmem>>
    %dma_start3A_23 = arith.constant 0 : i32
    %dma_start3A_24 = arith.constant 0 : i32
    %dma_start3A_25 = tpu.memref_slice %arg3[%dma_start3A_23, %dma_start3A_24] : memref<100000x512xf32, #tpu.memory_space<hbm>> -> memref<100000x512xf32, #tpu.memory_space<hbm>>
    %dma_start3A_26 = tpu.memref_slice %arg14[%dma_start3A_16] : memref<6x!tpu.dma_semaphore, #tpu.memory_space<semaphore_mem>> -> memref<1x!tpu.dma_semaphore, #tpu.memory_space<semaphore_mem>>
    %dma_start3A_27 = tpu.memref_squeeze %dma_start3A_26 : memref<1x!tpu.dma_semaphore, #tpu.memory_space<semaphore_mem>> -> memref<!tpu.dma_semaphore, #tpu.memory_space<semaphore_mem>>
    tpu.enqueue_indirect_dma source(%dma_start3A_25 : memref<100000x512xf32, #tpu.memory_space<hbm>>) target(%dma_start3A_20 : memref<16x512xf32, #tpu.memory_space<vmem>>) offsets(%dma_start3A_22 : memref<16xi32, #tpu.memory_space<vmem>>) semaphore(%dma_start3A_27 : memref<!tpu.dma_semaphore, #tpu.memory_space<semaphore_mem>>)
    %dma_start3A_28 = arith.constant 1 : i32
    %dma_start3A_29 = arith.constant 1 : i32
    %dma_start3A_30 = arith.constant 0 : i32
    %dma_start3A_31 = arith.constant 0 : i32
    %dma_start3A_32 = tpu.memref_slice %arg9[%dma_start3A_28, %dma_start3A_30, %dma_start3A_31] : memref<6x16x512xf32, #tpu.memory_space<vmem>> -> memref<1x16x512xf32, #tpu.memory_space<vmem>>
    %dma_start3A_33 = tpu.memref_squeeze %dma_start3A_32 : memref<1x16x512xf32, #tpu.memory_space<vmem>> -> memref<16x512xf32, #tpu.memory_space<vmem>>
    %dma_start3A_34 = arith.constant 16 : i32
    %dma_start3A_35 = tpu.memref_slice %arg7[%dma_start3A_34] : memref<512xi32, #tpu.memory_space<vmem>> -> memref<16xi32, #tpu.memory_space<vmem>>
    %dma_start3A_36 = arith.constant 0 : i32
    %dma_start3A_37 = arith.constant 0 : i32
    %dma_start3A_38 = tpu.memref_slice %arg2[%dma_start3A_36, %dma_start3A_37] : memref<100000x512xf32, #tpu.memory_space<hbm>> -> memref<100000x512xf32, #tpu.memory_space<hbm>>
    %dma_start3A_39 = tpu.memref_slice %arg13[%dma_start3A_29] : memref<6x!tpu.dma_semaphore, #tpu.memory_space<semaphore_mem>> -> memref<1x!tpu.dma_semaphore, #tpu.memory_space<semaphore_mem>>
    %dma_start3A_40 = tpu.memref_squeeze %dma_start3A_39 : memref<1x!tpu.dma_semaphore, #tpu.memory_space<semaphore_mem>> -> memref<!tpu.dma_semaphore, #tpu.memory_space<semaphore_mem>>
    tpu.enqueue_indirect_dma source(%dma_start3A_38 : memref<100000x512xf32, #tpu.memory_space<hbm>>) target(%dma_start3A_33 : memref<16x512xf32, #tpu.memory_space<vmem>>) offsets(%dma_start3A_35 : memref<16xi32, #tpu.memory_space<vmem>>) semaphore(%dma_start3A_40 : memref<!tpu.dma_semaphore, #tpu.memory_space<semaphore_mem>>)
    %dma_start3A_41 = arith.constant 1 : i32
    %dma_start3A_42 = arith.constant 1 : i32
    %dma_start3A_43 = arith.constant 0 : i32
    %dma_start3A_44 = arith.constant 0 : i32
    %dma_start3A_45 = tpu.memref_slice %arg10[%dma_start3A_41, %dma_start3A_43, %dma_start3A_44] : memref<6x16x512xf32, #tpu.memory_space<vmem>> -> memref<1x16x512xf32, #tpu.memory_space<vmem>>
    %dma_start3A_46 = tpu.memref_squeeze %dma_start3A_45 : memref<1x16x512xf32, #tpu.memory_space<vmem>> -> memref<16x512xf32, #tpu.memory_space<vmem>>
    %dma_start3A_47 = arith.constant 16 : i32
    %dma_start3A_48 = tpu.memref_slice %arg8[%dma_start3A_47] : memref<512xi32, #tpu.memory_space<vmem>> -> memref<16xi32, #tpu.memory_space<vmem>>
    %dma_start3A_49 = arith.constant 0 : i32
    %dma_start3A_50 = arith.constant 0 : i32
    %dma_start3A_51 = tpu.memref_slice %arg3[%dma_start3A_49, %dma_start3A_50] : memref<100000x512xf32, #tpu.memory_space<hbm>> -> memref<100000x512xf32, #tpu.memory_space<hbm>>
    %dma_start3A_52 = tpu.memref_slice %arg14[%dma_start3A_42] : memref<6x!tpu.dma_semaphore, #tpu.memory_space<semaphore_mem>> -> memref<1x!tpu.dma_semaphore, #tpu.memory_space<semaphore_mem>>
    %dma_start3A_53 = tpu.memref_squeeze %dma_start3A_52 : memref<1x!tpu.dma_semaphore, #tpu.memory_space<semaphore_mem>> -> memref<!tpu.dma_semaphore, #tpu.memory_space<semaphore_mem>>
    tpu.enqueue_indirect_dma source(%dma_start3A_51 : memref<100000x512xf32, #tpu.memory_space<hbm>>) target(%dma_start3A_46 : memref<16x512xf32, #tpu.memory_space<vmem>>) offsets(%dma_start3A_48 : memref<16xi32, #tpu.memory_space<vmem>>) semaphore(%dma_start3A_53 : memref<!tpu.dma_semaphore, #tpu.memory_space<semaphore_mem>>)
    %dma_start3A_54 = arith.constant 2 : i32
    %dma_start3A_55 = arith.constant 2 : i32
    %dma_start3A_56 = arith.constant 0 : i32
    %dma_start3A_57 = arith.constant 0 : i32
    %dma_start3A_58 = tpu.memref_slice %arg9[%dma_start3A_54, %dma_start3A_56, %dma_start3A_57] : memref<6x16x512xf32, #tpu.memory_space<vmem>> -> memref<1x16x512xf32, #tpu.memory_space<vmem>>
    %dma_start3A_59 = tpu.memref_squeeze %dma_start3A_58 : memref<1x16x512xf32, #tpu.memory_space<vmem>> -> memref<16x512xf32, #tpu.memory_space<vmem>>
    %dma_start3A_60 = arith.constant 32 : i32
    %dma_start3A_61 = tpu.memref_slice %arg7[%dma_start3A_60] : memref<512xi32, #tpu.memory_space<vmem>> -> memref<16xi32, #tpu.memory_space<vmem>>
    %dma_start3A_62 = arith.constant 0 : i32
    %dma_start3A_63 = arith.constant 0 : i32
    %dma_start3A_64 = tpu.memref_slice %arg2[%dma_start3A_62, %dma_start3A_63] : memref<100000x512xf32, #tpu.memory_space<hbm>> -> memref<100000x512xf32, #tpu.memory_space<hbm>>
    %dma_start3A_65 = tpu.memref_slice %arg13[%dma_start3A_55] : memref<6x!tpu.dma_semaphore, #tpu.memory_space<semaphore_mem>> -> memref<1x!tpu.dma_semaphore, #tpu.memory_space<semaphore_mem>>
    %dma_start3A_66 = tpu.memref_squeeze %dma_start3A_65 : memref<1x!tpu.dma_semaphore, #tpu.memory_space<semaphore_mem>> -> memref<!tpu.dma_semaphore, #tpu.memory_space<semaphore_mem>>
    tpu.enqueue_indirect_dma source(%dma_start3A_64 : memref<100000x512xf32, #tpu.memory_space<hbm>>) target(%dma_start3A_59 : memref<16x512xf32, #tpu.memory_space<vmem>>) offsets(%dma_start3A_61 : memref<16xi32, #tpu.memory_space<vmem>>) semaphore(%dma_start3A_66 : memref<!tpu.dma_semaphore, #tpu.memory_space<semaphore_mem>>)
    %dma_start3A_67 = arith.constant 2 : i32
    %dma_start3A_68 = arith.constant 2 : i32
    %dma_start3A_69 = arith.constant 0 : i32
    %dma_start3A_70 = arith.constant 0 : i32
    %dma_start3A_71 = tpu.memref_slice %arg10[%dma_start3A_67, %dma_start3A_69, %dma_start3A_70] : memref<6x16x512xf32, #tpu.memory_space<vmem>> -> memref<1x16x512xf32, #tpu.memory_space<vmem>>
    %dma_start3A_72 = tpu.memref_squeeze %dma_start3A_71 : memref<1x16x512xf32, #tpu.memory_space<vmem>> -> memref<16x512xf32, #tpu.memory_space<vmem>>
    %dma_start3A_73 = arith.constant 32 : i32
    %dma_start3A_74 = tpu.memref_slice %arg8[%dma_start3A_73] : memref<512xi32, #tpu.memory_space<vmem>> -> memref<16xi32, #tpu.memory_space<vmem>>
    %dma_start3A_75 = arith.constant 0 : i32
    %dma_start3A_76 = arith.constant 0 : i32
    %dma_start3A_77 = tpu.memref_slice %arg3[%dma_start3A_75, %dma_start3A_76] : memref<100000x512xf32, #tpu.memory_space<hbm>> -> memref<100000x512xf32, #tpu.memory_space<hbm>>
    %dma_start3A_78 = tpu.memref_slice %arg14[%dma_start3A_68] : memref<6x!tpu.dma_semaphore, #tpu.memory_space<semaphore_mem>> -> memref<1x!tpu.dma_semaphore, #tpu.memory_space<semaphore_mem>>
    %dma_start3A_79 = tpu.memref_squeeze %dma_start3A_78 : memref<1x!tpu.dma_semaphore, #tpu.memory_space<semaphore_mem>> -> memref<!tpu.dma_semaphore, #tpu.memory_space<semaphore_mem>>
    tpu.enqueue_indirect_dma source(%dma_start3A_77 : memref<100000x512xf32, #tpu.memory_space<hbm>>) target(%dma_start3A_72 : memref<16x512xf32, #tpu.memory_space<vmem>>) offsets(%dma_start3A_74 : memref<16xi32, #tpu.memory_space<vmem>>) semaphore(%dma_start3A_79 : memref<!tpu.dma_semaphore, #tpu.memory_space<semaphore_mem>>)
    %dma_start3A_80 = arith.constant 3 : i32
    %dma_start3A_81 = arith.constant 3 : i32
    %dma_start3A_82 = arith.constant 0 : i32
    %dma_start3A_83 = arith.constant 0 : i32
    %dma_start3A_84 = tpu.memref_slice %arg9[%dma_start3A_80, %dma_start3A_82, %dma_start3A_83] : memref<6x16x512xf32, #tpu.memory_space<vmem>> -> memref<1x16x512xf32, #tpu.memory_space<vmem>>
    %dma_start3A_85 = tpu.memref_squeeze %dma_start3A_84 : memref<1x16x512xf32, #tpu.memory_space<vmem>> -> memref<16x512xf32, #tpu.memory_space<vmem>>
    %dma_start3A_86 = arith.constant 48 : i32
    %dma_start3A_87 = tpu.memref_slice %arg7[%dma_start3A_86] : memref<512xi32, #tpu.memory_space<vmem>> -> memref<16xi32, #tpu.memory_space<vmem>>
    %dma_start3A_88 = arith.constant 0 : i32
    %dma_start3A_89 = arith.constant 0 : i32
    %dma_start3A_90 = tpu.memref_slice %arg2[%dma_start3A_88, %dma_start3A_89] : memref<100000x512xf32, #tpu.memory_space<hbm>> -> memref<100000x512xf32, #tpu.memory_space<hbm>>
    %dma_start3A_91 = tpu.memref_slice %arg13[%dma_start3A_81] : memref<6x!tpu.dma_semaphore, #tpu.memory_space<semaphore_mem>> -> memref<1x!tpu.dma_semaphore, #tpu.memory_space<semaphore_mem>>
    %dma_start3A_92 = tpu.memref_squeeze %dma_start3A_91 : memref<1x!tpu.dma_semaphore, #tpu.memory_space<semaphore_mem>> -> memref<!tpu.dma_semaphore, #tpu.memory_space<semaphore_mem>>
    tpu.enqueue_indirect_dma source(%dma_start3A_90 : memref<100000x512xf32, #tpu.memory_space<hbm>>) target(%dma_start3A_85 : memref<16x512xf32, #tpu.memory_space<vmem>>) offsets(%dma_start3A_87 : memref<16xi32, #tpu.memory_space<vmem>>) semaphore(%dma_start3A_92 : memref<!tpu.dma_semaphore, #tpu.memory_space<semaphore_mem>>)
    %dma_start3A_93 = arith.constant 3 : i32
    %dma_start3A_94 = arith.constant 3 : i32
    %dma_start3A_95 = arith.constant 0 : i32
    %dma_start3A_96 = arith.constant 0 : i32
    %dma_start3A_97 = tpu.memref_slice %arg10[%dma_start3A_93, %dma_start3A_95, %dma_start3A_96] : memref<6x16x512xf32, #tpu.memory_space<vmem>> -> memref<1x16x512xf32, #tpu.memory_space<vmem>>
    %dma_start3A_98 = tpu.memref_squeeze %dma_start3A_97 : memref<1x16x512xf32, #tpu.memory_space<vmem>> -> memref<16x512xf32, #tpu.memory_space<vmem>>
    %dma_start3A_99 = arith.constant 48 : i32
    %dma_start3A_100 = tpu.memref_slice %arg8[%dma_start3A_99] : memref<512xi32, #tpu.memory_space<vmem>> -> memref<16xi32, #tpu.memory_space<vmem>>
    %dma_start3A_101 = arith.constant 0 : i32
    %dma_start3A_102 = arith.constant 0 : i32
    %dma_start3A_103 = tpu.memref_slice %arg3[%dma_start3A_101, %dma_start3A_102] : memref<100000x512xf32, #tpu.memory_space<hbm>> -> memref<100000x512xf32, #tpu.memory_space<hbm>>
    %dma_start3A_104 = tpu.memref_slice %arg14[%dma_start3A_94] : memref<6x!tpu.dma_semaphore, #tpu.memory_space<semaphore_mem>> -> memref<1x!tpu.dma_semaphore, #tpu.memory_space<semaphore_mem>>
    %dma_start3A_105 = tpu.memref_squeeze %dma_start3A_104 : memref<1x!tpu.dma_semaphore, #tpu.memory_space<semaphore_mem>> -> memref<!tpu.dma_semaphore, #tpu.memory_space<semaphore_mem>>
    tpu.enqueue_indirect_dma source(%dma_start3A_103 : memref<100000x512xf32, #tpu.memory_space<hbm>>) target(%dma_start3A_98 : memref<16x512xf32, #tpu.memory_space<vmem>>) offsets(%dma_start3A_100 : memref<16xi32, #tpu.memory_space<vmem>>) semaphore(%dma_start3A_105 : memref<!tpu.dma_semaphore, #tpu.memory_space<semaphore_mem>>)
    %dma_start3A_106 = arith.constant 4 : i32
    %dma_start3A_107 = arith.constant 4 : i32
    %dma_start3A_108 = arith.constant 0 : i32
    %dma_start3A_109 = arith.constant 0 : i32
    %dma_start3A_110 = tpu.memref_slice %arg9[%dma_start3A_106, %dma_start3A_108, %dma_start3A_109] : memref<6x16x512xf32, #tpu.memory_space<vmem>> -> memref<1x16x512xf32, #tpu.memory_space<vmem>>
    %dma_start3A_111 = tpu.memref_squeeze %dma_start3A_110 : memref<1x16x512xf32, #tpu.memory_space<vmem>> -> memref<16x512xf32, #tpu.memory_space<vmem>>
    %dma_start3A_112 = arith.constant 64 : i32
    %dma_start3A_113 = tpu.memref_slice %arg7[%dma_start3A_112] : memref<512xi32, #tpu.memory_space<vmem>> -> memref<16xi32, #tpu.memory_space<vmem>>
    %dma_start3A_114 = arith.constant 0 : i32
    %dma_start3A_115 = arith.constant 0 : i32
    %dma_start3A_116 = tpu.memref_slice %arg2[%dma_start3A_114, %dma_start3A_115] : memref<100000x512xf32, #tpu.memory_space<hbm>> -> memref<100000x512xf32, #tpu.memory_space<hbm>>
    %dma_start3A_117 = tpu.memref_slice %arg13[%dma_start3A_107] : memref<6x!tpu.dma_semaphore, #tpu.memory_space<semaphore_mem>> -> memref<1x!tpu.dma_semaphore, #tpu.memory_space<semaphore_mem>>
    %dma_start3A_118 = tpu.memref_squeeze %dma_start3A_117 : memref<1x!tpu.dma_semaphore, #tpu.memory_space<semaphore_mem>> -> memref<!tpu.dma_semaphore, #tpu.memory_space<semaphore_mem>>
    tpu.enqueue_indirect_dma source(%dma_start3A_116 : memref<100000x512xf32, #tpu.memory_space<hbm>>) target(%dma_start3A_111 : memref<16x512xf32, #tpu.memory_space<vmem>>) offsets(%dma_start3A_113 : memref<16xi32, #tpu.memory_space<vmem>>) semaphore(%dma_start3A_118 : memref<!tpu.dma_semaphore, #tpu.memory_space<semaphore_mem>>)
    %dma_start3A_119 = arith.constant 4 : i32
    %dma_start3A_120 = arith.constant 4 : i32
    %dma_start3A_121 = arith.constant 0 : i32
    %dma_start3A_122 = arith.constant 0 : i32
    %dma_start3A_123 = tpu.memref_slice %arg10[%dma_start3A_119, %dma_start3A_121, %dma_start3A_122] : memref<6x16x512xf32, #tpu.memory_space<vmem>> -> memref<1x16x512xf32, #tpu.memory_space<vmem>>
    %dma_start3A_124 = tpu.memref_squeeze %dma_start3A_123 : memref<1x16x512xf32, #tpu.memory_space<vmem>> -> memref<16x512xf32, #tpu.memory_space<vmem>>
    %dma_start3A_125 = arith.constant 64 : i32
    %dma_start3A_126 = tpu.memref_slice %arg8[%dma_start3A_125] : memref<512xi32, #tpu.memory_space<vmem>> -> memref<16xi32, #tpu.memory_space<vmem>>
    %dma_start3A_127 = arith.constant 0 : i32
    %dma_start3A_128 = arith.constant 0 : i32
    %dma_start3A_129 = tpu.memref_slice %arg3[%dma_start3A_127, %dma_start3A_128] : memref<100000x512xf32, #tpu.memory_space<hbm>> -> memref<100000x512xf32, #tpu.memory_space<hbm>>
    %dma_start3A_130 = tpu.memref_slice %arg14[%dma_start3A_120] : memref<6x!tpu.dma_semaphore, #tpu.memory_space<semaphore_mem>> -> memref<1x!tpu.dma_semaphore, #tpu.memory_space<semaphore_mem>>
    %dma_start3A_131 = tpu.memref_squeeze %dma_start3A_130 : memref<1x!tpu.dma_semaphore, #tpu.memory_space<semaphore_mem>> -> memref<!tpu.dma_semaphore, #tpu.memory_space<semaphore_mem>>
    tpu.enqueue_indirect_dma source(%dma_start3A_129 : memref<100000x512xf32, #tpu.memory_space<hbm>>) target(%dma_start3A_124 : memref<16x512xf32, #tpu.memory_space<vmem>>) offsets(%dma_start3A_126 : memref<16xi32, #tpu.memory_space<vmem>>) semaphore(%dma_start3A_131 : memref<!tpu.dma_semaphore, #tpu.memory_space<semaphore_mem>>)
    %scan3A = arith.constant 0 : i32
    %scan3A_132 = arith.constant 0 : i32
    %scan3A_133 = arith.constant 32 : i32
    %scan3A_134 = arith.addi %scan3A_132, %scan3A_133 : i32
    %scan3A_135 = arith.constant 1 : i32
    %scan3A_136 = scf.for %scan3A_155 = %scan3A_132 to %scan3A_134 step %scan3A_135 iter_args(%scan3A_156 = %scan3A) -> (i32)  : i32 {
      %mul3A_157 = arith.constant 16 : i32
      %mul3A_158 = arith.muli %scan3A_155, %mul3A_157 : i32
      %dma_wait3A = arith.constant 0 : i32
      %dma_wait3A_159 = arith.constant 0 : i32
      %dma_wait3A_160 = tpu.memref_slice %arg9[%scan3A_156, %dma_wait3A, %dma_wait3A_159] : memref<6x16x512xf32, #tpu.memory_space<vmem>> -> memref<1x16x512xf32, #tpu.memory_space<vmem>>
      %dma_wait3A_161 = tpu.memref_squeeze %dma_wait3A_160 : memref<1x16x512xf32, #tpu.memory_space<vmem>> -> memref<16x512xf32, #tpu.memory_space<vmem>>
      %dma_wait3A_162 = tpu.memref_slice %arg7[%mul3A_158] : memref<512xi32, #tpu.memory_space<vmem>> -> memref<16xi32, #tpu.memory_space<vmem>>
      %dma_wait3A_163 = arith.constant 0 : i32
      %dma_wait3A_164 = arith.constant 0 : i32
      %dma_wait3A_165 = tpu.memref_slice %arg2[%dma_wait3A_163, %dma_wait3A_164] : memref<100000x512xf32, #tpu.memory_space<hbm>> -> memref<100000x512xf32, #tpu.memory_space<hbm>>
      %dma_wait3A_166 = tpu.memref_slice %arg13[%scan3A_156] : memref<6x!tpu.dma_semaphore, #tpu.memory_space<semaphore_mem>> -> memref<1x!tpu.dma_semaphore, #tpu.memory_space<semaphore_mem>>
      %dma_wait3A_167 = tpu.memref_squeeze %dma_wait3A_166 : memref<1x!tpu.dma_semaphore, #tpu.memory_space<semaphore_mem>> -> memref<!tpu.dma_semaphore, #tpu.memory_space<semaphore_mem>>
      tpu.wait_indirect_dma semaphore(%dma_wait3A_167 : memref<!tpu.dma_semaphore, #tpu.memory_space<semaphore_mem>>) src(%dma_wait3A_165 : memref<100000x512xf32, #tpu.memory_space<hbm>>) dst(%dma_wait3A_161 : memref<16x512xf32, #tpu.memory_space<vmem>>)
      %mul3A_168 = arith.constant 16 : i32
      %mul3A_169 = arith.muli %scan3A_155, %mul3A_168 : i32
      %dma_wait3A_170 = arith.constant 0 : i32
      %dma_wait3A_171 = arith.constant 0 : i32
      %dma_wait3A_172 = tpu.memref_slice %arg10[%scan3A_156, %dma_wait3A_170, %dma_wait3A_171] : memref<6x16x512xf32, #tpu.memory_space<vmem>> -> memref<1x16x512xf32, #tpu.memory_space<vmem>>
      %dma_wait3A_173 = tpu.memref_squeeze %dma_wait3A_172 : memref<1x16x512xf32, #tpu.memory_space<vmem>> -> memref<16x512xf32, #tpu.memory_space<vmem>>
      %dma_wait3A_174 = tpu.memref_slice %arg8[%mul3A_169] : memref<512xi32, #tpu.memory_space<vmem>> -> memref<16xi32, #tpu.memory_space<vmem>>
      %dma_wait3A_175 = arith.constant 0 : i32
      %dma_wait3A_176 = arith.constant 0 : i32
      %dma_wait3A_177 = tpu.memref_slice %arg3[%dma_wait3A_175, %dma_wait3A_176] : memref<100000x512xf32, #tpu.memory_space<hbm>> -> memref<100000x512xf32, #tpu.memory_space<hbm>>
      %dma_wait3A_178 = tpu.memref_slice %arg14[%scan3A_156] : memref<6x!tpu.dma_semaphore, #tpu.memory_space<semaphore_mem>> -> memref<1x!tpu.dma_semaphore, #tpu.memory_space<semaphore_mem>>
      %dma_wait3A_179 = tpu.memref_squeeze %dma_wait3A_178 : memref<1x!tpu.dma_semaphore, #tpu.memory_space<semaphore_mem>> -> memref<!tpu.dma_semaphore, #tpu.memory_space<semaphore_mem>>
      tpu.wait_indirect_dma semaphore(%dma_wait3A_179 : memref<!tpu.dma_semaphore, #tpu.memory_space<semaphore_mem>>) src(%dma_wait3A_177 : memref<100000x512xf32, #tpu.memory_space<hbm>>) dst(%dma_wait3A_173 : memref<16x512xf32, #tpu.memory_space<vmem>>)
      %scan3A_180 = arith.constant 0 : i32
      %scan3A_181 = arith.constant 0 : i32
      %scan3A_182 = arith.constant 16 : i32
      %scan3A_183 = arith.addi %scan3A_181, %scan3A_182 : i32
      %scan3A_184 = arith.constant 1 : i32
      scf.for %scan3A_203 = %scan3A_181 to %scan3A_183 step %scan3A_184  : i32 {
        %get3A = arith.index_cast %scan3A_156 : i32 to index
        %get3A_204 = arith.index_cast %scan3A_203 : i32 to index
        %get3A_205 = arith.constant 0 : index
        %get3A_206 = tpu.vector_load %arg9[%get3A, %get3A_204, %get3A_205] {strides = array<i32>} : memref<6x16x512xf32, #tpu.memory_space<vmem>>, vector<16xf32>,
        %get3A_207 = arith.index_cast %scan3A_156 : i32 to index
        %get3A_208 = arith.index_cast %scan3A_203 : i32 to index
        %get3A_209 = arith.constant 0 : index
        %get3A_210 = tpu.vector_load %arg10[%get3A_207, %get3A_208, %get3A_209] {strides = array<i32>} : memref<6x16x512xf32, #tpu.memory_space<vmem>>, vector<16xf32>,
        %mul3A_211 = arith.mulf %get3A_206, %get3A_210 : vector<16xf32>
        %get3A_212 = arith.index_cast %scan3A_156 : i32 to index
        %get3A_213 = arith.index_cast %scan3A_203 : i32 to index
        %get3A_214 = arith.constant 16 : index
        %get3A_215 = tpu.vector_load %arg9[%get3A_212, %get3A_213, %get3A_214] {strides = array<i32>} : memref<6x16x512xf32, #tpu.memory_space<vmem>>, vector<16xf32>,
        %get3A_216 = arith.index_cast %scan3A_156 : i32 to index
        %get3A_217 = arith.index_cast %scan3A_203 : i32 to index
        %get3A_218 = arith.constant 16 : index
        %get3A_219 = tpu.vector_load %arg10[%get3A_216, %get3A_217, %get3A_218] {strides = array<i32>} : memref<6x16x512xf32, #tpu.memory_space<vmem>>, vector<16xf32>,
        %mul3A_220 = arith.mulf %get3A_215, %get3A_219 : vector<16xf32>
        %add3A_221 = arith.addf %mul3A_211, %mul3A_220 : vector<16xf32>
        %get3A_222 = arith.index_cast %scan3A_156 : i32 to index
        %get3A_223 = arith.index_cast %scan3A_203 : i32 to index
        %get3A_224 = arith.constant 32 : index
        %get3A_225 = tpu.vector_load %arg9[%get3A_222, %get3A_223, %get3A_224] {strides = array<i32>} : memref<6x16x512xf32, #tpu.memory_space<vmem>>, vector<16xf32>,
        %get3A_226 = arith.index_cast %scan3A_156 : i32 to index
        %get3A_227 = arith.index_cast %scan3A_203 : i32 to index
        %get3A_228 = arith.constant 32 : index
        %get3A_229 = tpu.vector_load %arg10[%get3A_226, %get3A_227, %get3A_228] {strides = array<i32>} : memref<6x16x512xf32, #tpu.memory_space<vmem>>, vector<16xf32>,
        %mul3A_230 = arith.mulf %get3A_225, %get3A_229 : vector<16xf32>
        %add3A_231 = arith.addf %add3A_221, %mul3A_230 : vector<16xf32>
        %get3A_232 = arith.index_cast %scan3A_156 : i32 to index
        %get3A_233 = arith.index_cast %scan3A_203 : i32 to index
        %get3A_234 = arith.constant 48 : index
        %get3A_235 = tpu.vector_load %arg9[%get3A_232, %get3A_233, %get3A_234] {strides = array<i32>} : memref<6x16x512xf32, #tpu.memory_space<vmem>>, vector<16xf32>,
        %get3A_236 = arith.index_cast %scan3A_156 : i32 to index
        %get3A_237 = arith.index_cast %scan3A_203 : i32 to index
        %get3A_238 = arith.constant 48 : index
        %get3A_239 = tpu.vector_load %arg10[%get3A_236, %get3A_237, %get3A_238] {strides = array<i32>} : memref<6x16x512xf32, #tpu.memory_space<vmem>>, vector<16xf32>,
        %mul3A_240 = arith.mulf %get3A_235, %get3A_239 : vector<16xf32>
        %add3A_241 = arith.addf %add3A_231, %mul3A_240 : vector<16xf32>
        %get3A_242 = arith.index_cast %scan3A_156 : i32 to index
        %get3A_243 = arith.index_cast %scan3A_203 : i32 to index
        %get3A_244 = arith.constant 64 : index
        %get3A_245 = tpu.vector_load %arg9[%get3A_242, %get3A_243, %get3A_244] {strides = array<i32>} : memref<6x16x512xf32, #tpu.memory_space<vmem>>, vector<16xf32>,
        %get3A_246 = arith.index_cast %scan3A_156 : i32 to index
        %get3A_247 = arith.index_cast %scan3A_203 : i32 to index
        %get3A_248 = arith.constant 64 : index
        %get3A_249 = tpu.vector_load %arg10[%get3A_246, %get3A_247, %get3A_248] {strides = array<i32>} : memref<6x16x512xf32, #tpu.memory_space<vmem>>, vector<16xf32>,
        %mul3A_250 = arith.mulf %get3A_245, %get3A_249 : vector<16xf32>
        %add3A_251 = arith.addf %add3A_241, %mul3A_250 : vector<16xf32>
        %get3A_252 = arith.index_cast %scan3A_156 : i32 to index
        %get3A_253 = arith.index_cast %scan3A_203 : i32 to index
        %get3A_254 = arith.constant 80 : index
        %get3A_255 = tpu.vector_load %arg9[%get3A_252, %get3A_253, %get3A_254] {strides = array<i32>} : memref<6x16x512xf32, #tpu.memory_space<vmem>>, vector<16xf32>,
        %get3A_256 = arith.index_cast %scan3A_156 : i32 to index
        %get3A_257 = arith.index_cast %scan3A_203 : i32 to index
        %get3A_258 = arith.constant 80 : index
        %get3A_259 = tpu.vector_load %arg10[%get3A_256, %get3A_257, %get3A_258] {strides = array<i32>} : memref<6x16x512xf32, #tpu.memory_space<vmem>>, vector<16xf32>,
        %mul3A_260 = arith.mulf %get3A_255, %get3A_259 : vector<16xf32>
        %add3A_261 = arith.addf %add3A_251, %mul3A_260 : vector<16xf32>
        %get3A_262 = arith.index_cast %scan3A_156 : i32 to index
        %get3A_263 = arith.index_cast %scan3A_203 : i32 to index
        %get3A_264 = arith.constant 96 : index
        %get3A_265 = tpu.vector_load %arg9[%get3A_262, %get3A_263, %get3A_264] {strides = array<i32>} : memref<6x16x512xf32, #tpu.memory_space<vmem>>, vector<16xf32>,
        %get3A_266 = arith.index_cast %scan3A_156 : i32 to index
        %get3A_267 = arith.index_cast %scan3A_203 : i32 to index
        %get3A_268 = arith.constant 96 : index
        %get3A_269 = tpu.vector_load %arg10[%get3A_266, %get3A_267, %get3A_268] {strides = array<i32>} : memref<6x16x512xf32, #tpu.memory_space<vmem>>, vector<16xf32>,
        %mul3A_270 = arith.mulf %get3A_265, %get3A_269 : vector<16xf32>
        %add3A_271 = arith.addf %add3A_261, %mul3A_270 : vector<16xf32>
        %get3A_272 = arith.index_cast %scan3A_156 : i32 to index
        %get3A_273 = arith.index_cast %scan3A_203 : i32 to index
        %get3A_274 = arith.constant 112 : index
        %get3A_275 = tpu.vector_load %arg9[%get3A_272, %get3A_273, %get3A_274] {strides = array<i32>} : memref<6x16x512xf32, #tpu.memory_space<vmem>>, vector<16xf32>,
        %get3A_276 = arith.index_cast %scan3A_156 : i32 to index
        %get3A_277 = arith.index_cast %scan3A_203 : i32 to index
        %get3A_278 = arith.constant 112 : index
        %get3A_279 = tpu.vector_load %arg10[%get3A_276, %get3A_277, %get3A_278] {strides = array<i32>} : memref<6x16x512xf32, #tpu.memory_space<vmem>>, vector<16xf32>,
        %mul3A_280 = arith.mulf %get3A_275, %get3A_279 : vector<16xf32>
        %add3A_281 = arith.addf %add3A_271, %mul3A_280 : vector<16xf32>
        %get3A_282 = arith.index_cast %scan3A_156 : i32 to index
        %get3A_283 = arith.index_cast %scan3A_203 : i32 to index
        %get3A_284 = arith.constant 128 : index
        %get3A_285 = tpu.vector_load %arg9[%get3A_282, %get3A_283, %get3A_284] {strides = array<i32>} : memref<6x16x512xf32, #tpu.memory_space<vmem>>, vector<16xf32>,
        %get3A_286 = arith.index_cast %scan3A_156 : i32 to index
        %get3A_287 = arith.index_cast %scan3A_203 : i32 to index
        %get3A_288 = arith.constant 128 : index
        %get3A_289 = tpu.vector_load %arg10[%get3A_286, %get3A_287, %get3A_288] {strides = array<i32>} : memref<6x16x512xf32, #tpu.memory_space<vmem>>, vector<16xf32>,
        %mul3A_290 = arith.mulf %get3A_285, %get3A_289 : vector<16xf32>
        %add3A_291 = arith.addf %add3A_281, %mul3A_290 : vector<16xf32>
        %get3A_292 = arith.index_cast %scan3A_156 : i32 to index
        %get3A_293 = arith.index_cast %scan3A_203 : i32 to index
        %get3A_294 = arith.constant 144 : index
        %get3A_295 = tpu.vector_load %arg9[%get3A_292, %get3A_293, %get3A_294] {strides = array<i32>} : memref<6x16x512xf32, #tpu.memory_space<vmem>>, vector<16xf32>,
        %get3A_296 = arith.index_cast %scan3A_156 : i32 to index
        %get3A_297 = arith.index_cast %scan3A_203 : i32 to index
        %get3A_298 = arith.constant 144 : index
        %get3A_299 = tpu.vector_load %arg10[%get3A_296, %get3A_297, %get3A_298] {strides = array<i32>} : memref<6x16x512xf32, #tpu.memory_space<vmem>>, vector<16xf32>,
        %mul3A_300 = arith.mulf %get3A_295, %get3A_299 : vector<16xf32>
        %add3A_301 = arith.addf %add3A_291, %mul3A_300 : vector<16xf32>
        %get3A_302 = arith.index_cast %scan3A_156 : i32 to index
        %get3A_303 = arith.index_cast %scan3A_203 : i32 to index
        %get3A_304 = arith.constant 160 : index
        %get3A_305 = tpu.vector_load %arg9[%get3A_302, %get3A_303, %get3A_304] {strides = array<i32>} : memref<6x16x512xf32, #tpu.memory_space<vmem>>, vector<16xf32>,
        %get3A_306 = arith.index_cast %scan3A_156 : i32 to index
        %get3A_307 = arith.index_cast %scan3A_203 : i32 to index
        %get3A_308 = arith.constant 160 : index
        %get3A_309 = tpu.vector_load %arg10[%get3A_306, %get3A_307, %get3A_308] {strides = array<i32>} : memref<6x16x512xf32, #tpu.memory_space<vmem>>, vector<16xf32>,
        %mul3A_310 = arith.mulf %get3A_305, %get3A_309 : vector<16xf32>
        %add3A_311 = arith.addf %add3A_301, %mul3A_310 : vector<16xf32>
        %get3A_312 = arith.index_cast %scan3A_156 : i32 to index
        %get3A_313 = arith.index_cast %scan3A_203 : i32 to index
        %get3A_314 = arith.constant 176 : index
        %get3A_315 = tpu.vector_load %arg9[%get3A_312, %get3A_313, %get3A_314] {strides = array<i32>} : memref<6x16x512xf32, #tpu.memory_space<vmem>>, vector<16xf32>,
        %get3A_316 = arith.index_cast %scan3A_156 : i32 to index
        %get3A_317 = arith.index_cast %scan3A_203 : i32 to index
        %get3A_318 = arith.constant 176 : index
        %get3A_319 = tpu.vector_load %arg10[%get3A_316, %get3A_317, %get3A_318] {strides = array<i32>} : memref<6x16x512xf32, #tpu.memory_space<vmem>>, vector<16xf32>,
        %mul3A_320 = arith.mulf %get3A_315, %get3A_319 : vector<16xf32>
        %add3A_321 = arith.addf %add3A_311, %mul3A_320 : vector<16xf32>
        %get3A_322 = arith.index_cast %scan3A_156 : i32 to index
        %get3A_323 = arith.index_cast %scan3A_203 : i32 to index
        %get3A_324 = arith.constant 192 : index
        %get3A_325 = tpu.vector_load %arg9[%get3A_322, %get3A_323, %get3A_324] {strides = array<i32>} : memref<6x16x512xf32, #tpu.memory_space<vmem>>, vector<16xf32>,
        %get3A_326 = arith.index_cast %scan3A_156 : i32 to index
        %get3A_327 = arith.index_cast %scan3A_203 : i32 to index
        %get3A_328 = arith.constant 192 : index
        %get3A_329 = tpu.vector_load %arg10[%get3A_326, %get3A_327, %get3A_328] {strides = array<i32>} : memref<6x16x512xf32, #tpu.memory_space<vmem>>, vector<16xf32>,
        %mul3A_330 = arith.mulf %get3A_325, %get3A_329 : vector<16xf32>
        %add3A_331 = arith.addf %add3A_321, %mul3A_330 : vector<16xf32>
        %get3A_332 = arith.index_cast %scan3A_156 : i32 to index
        %get3A_333 = arith.index_cast %scan3A_203 : i32 to index
        %get3A_334 = arith.constant 208 : index
        %get3A_335 = tpu.vector_load %arg9[%get3A_332, %get3A_333, %get3A_334] {strides = array<i32>} : memref<6x16x512xf32, #tpu.memory_space<vmem>>, vector<16xf32>,
        %get3A_336 = arith.index_cast %scan3A_156 : i32 to index
        %get3A_337 = arith.index_cast %scan3A_203 : i32 to index
        %get3A_338 = arith.constant 208 : index
        %get3A_339 = tpu.vector_load %arg10[%get3A_336, %get3A_337, %get3A_338] {strides = array<i32>} : memref<6x16x512xf32, #tpu.memory_space<vmem>>, vector<16xf32>,
        %mul3A_340 = arith.mulf %get3A_335, %get3A_339 : vector<16xf32>
        %add3A_341 = arith.addf %add3A_331, %mul3A_340 : vector<16xf32>
        %get3A_342 = arith.index_cast %scan3A_156 : i32 to index
        %get3A_343 = arith.index_cast %scan3A_203 : i32 to index
        %get3A_344 = arith.constant 224 : index
        %get3A_345 = tpu.vector_load %arg9[%get3A_342, %get3A_343, %get3A_344] {strides = array<i32>} : memref<6x16x512xf32, #tpu.memory_space<vmem>>, vector<16xf32>,
        %get3A_346 = arith.index_cast %scan3A_156 : i32 to index
        %get3A_347 = arith.index_cast %scan3A_203 : i32 to index
        %get3A_348 = arith.constant 224 : index
        %get3A_349 = tpu.vector_load %arg10[%get3A_346, %get3A_347, %get3A_348] {strides = array<i32>} : memref<6x16x512xf32, #tpu.memory_space<vmem>>, vector<16xf32>,
        %mul3A_350 = arith.mulf %get3A_345, %get3A_349 : vector<16xf32>
        %add3A_351 = arith.addf %add3A_341, %mul3A_350 : vector<16xf32>
        %get3A_352 = arith.index_cast %scan3A_156 : i32 to index
        %get3A_353 = arith.index_cast %scan3A_203 : i32 to index
        %get3A_354 = arith.constant 240 : index
        %get3A_355 = tpu.vector_load %arg9[%get3A_352, %get3A_353, %get3A_354] {strides = array<i32>} : memref<6x16x512xf32, #tpu.memory_space<vmem>>, vector<16xf32>,
        %get3A_356 = arith.index_cast %scan3A_156 : i32 to index
        %get3A_357 = arith.index_cast %scan3A_203 : i32 to index
        %get3A_358 = arith.constant 240 : index
        %get3A_359 = tpu.vector_load %arg10[%get3A_356, %get3A_357, %get3A_358] {strides = array<i32>} : memref<6x16x512xf32, #tpu.memory_space<vmem>>, vector<16xf32>,
        %mul3A_360 = arith.mulf %get3A_355, %get3A_359 : vector<16xf32>
        %add3A_361 = arith.addf %add3A_351, %mul3A_360 : vector<16xf32>
        %get3A_362 = arith.index_cast %scan3A_156 : i32 to index
        %get3A_363 = arith.index_cast %scan3A_203 : i32 to index
        %get3A_364 = arith.constant 256 : index
        %get3A_365 = tpu.vector_load %arg9[%get3A_362, %get3A_363, %get3A_364] {strides = array<i32>} : memref<6x16x512xf32, #tpu.memory_space<vmem>>, vector<16xf32>,
        %get3A_366 = arith.index_cast %scan3A_156 : i32 to index
        %get3A_367 = arith.index_cast %scan3A_203 : i32 to index
        %get3A_368 = arith.constant 256 : index
        %get3A_369 = tpu.vector_load %arg10[%get3A_366, %get3A_367, %get3A_368] {strides = array<i32>} : memref<6x16x512xf32, #tpu.memory_space<vmem>>, vector<16xf32>,
        %mul3A_370 = arith.mulf %get3A_365, %get3A_369 : vector<16xf32>
        %add3A_371 = arith.addf %add3A_361, %mul3A_370 : vector<16xf32>
        %get3A_372 = arith.index_cast %scan3A_156 : i32 to index
        %get3A_373 = arith.index_cast %scan3A_203 : i32 to index
        %get3A_374 = arith.constant 272 : index
        %get3A_375 = tpu.vector_load %arg9[%get3A_372, %get3A_373, %get3A_374] {strides = array<i32>} : memref<6x16x512xf32, #tpu.memory_space<vmem>>, vector<16xf32>,
        %get3A_376 = arith.index_cast %scan3A_156 : i32 to index
        %get3A_377 = arith.index_cast %scan3A_203 : i32 to index
        %get3A_378 = arith.constant 272 : index
        %get3A_379 = tpu.vector_load %arg10[%get3A_376, %get3A_377, %get3A_378] {strides = array<i32>} : memref<6x16x512xf32, #tpu.memory_space<vmem>>, vector<16xf32>,
        %mul3A_380 = arith.mulf %get3A_375, %get3A_379 : vector<16xf32>
        %add3A_381 = arith.addf %add3A_371, %mul3A_380 : vector<16xf32>
        %get3A_382 = arith.index_cast %scan3A_156 : i32 to index
        %get3A_383 = arith.index_cast %scan3A_203 : i32 to index
        %get3A_384 = arith.constant 288 : index
        %get3A_385 = tpu.vector_load %arg9[%get3A_382, %get3A_383, %get3A_384] {strides = array<i32>} : memref<6x16x512xf32, #tpu.memory_space<vmem>>, vector<16xf32>,
        %get3A_386 = arith.index_cast %scan3A_156 : i32 to index
        %get3A_387 = arith.index_cast %scan3A_203 : i32 to index
        %get3A_388 = arith.constant 288 : index
        %get3A_389 = tpu.vector_load %arg10[%get3A_386, %get3A_387, %get3A_388] {strides = array<i32>} : memref<6x16x512xf32, #tpu.memory_space<vmem>>, vector<16xf32>,
        %mul3A_390 = arith.mulf %get3A_385, %get3A_389 : vector<16xf32>
        %add3A_391 = arith.addf %add3A_381, %mul3A_390 : vector<16xf32>
        %get3A_392 = arith.index_cast %scan3A_156 : i32 to index
        %get3A_393 = arith.index_cast %scan3A_203 : i32 to index
        %get3A_394 = arith.constant 304 : index
        %get3A_395 = tpu.vector_load %arg9[%get3A_392, %get3A_393, %get3A_394] {strides = array<i32>} : memref<6x16x512xf32, #tpu.memory_space<vmem>>, vector<16xf32>,
        %get3A_396 = arith.index_cast %scan3A_156 : i32 to index
        %get3A_397 = arith.index_cast %scan3A_203 : i32 to index
        %get3A_398 = arith.constant 304 : index
        %get3A_399 = tpu.vector_load %arg10[%get3A_396, %get3A_397, %get3A_398] {strides = array<i32>} : memref<6x16x512xf32, #tpu.memory_space<vmem>>, vector<16xf32>,
        %mul3A_400 = arith.mulf %get3A_395, %get3A_399 : vector<16xf32>
        %add3A_401 = arith.addf %add3A_391, %mul3A_400 : vector<16xf32>
        %get3A_402 = arith.index_cast %scan3A_156 : i32 to index
        %get3A_403 = arith.index_cast %scan3A_203 : i32 to index
        %get3A_404 = arith.constant 320 : index
        %get3A_405 = tpu.vector_load %arg9[%get3A_402, %get3A_403, %get3A_404] {strides = array<i32>} : memref<6x16x512xf32, #tpu.memory_space<vmem>>, vector<16xf32>,
        %get3A_406 = arith.index_cast %scan3A_156 : i32 to index
        %get3A_407 = arith.index_cast %scan3A_203 : i32 to index
        %get3A_408 = arith.constant 320 : index
        %get3A_409 = tpu.vector_load %arg10[%get3A_406, %get3A_407, %get3A_408] {strides = array<i32>} : memref<6x16x512xf32, #tpu.memory_space<vmem>>, vector<16xf32>,
        %mul3A_410 = arith.mulf %get3A_405, %get3A_409 : vector<16xf32>
        %add3A_411 = arith.addf %add3A_401, %mul3A_410 : vector<16xf32>
        %get3A_412 = arith.index_cast %scan3A_156 : i32 to index
        %get3A_413 = arith.index_cast %scan3A_203 : i32 to index
        %get3A_414 = arith.constant 336 : index
        %get3A_415 = tpu.vector_load %arg9[%get3A_412, %get3A_413, %get3A_414] {strides = array<i32>} : memref<6x16x512xf32, #tpu.memory_space<vmem>>, vector<16xf32>,
        %get3A_416 = arith.index_cast %scan3A_156 : i32 to index
        %get3A_417 = arith.index_cast %scan3A_203 : i32 to index
        %get3A_418 = arith.constant 336 : index
        %get3A_419 = tpu.vector_load %arg10[%get3A_416, %get3A_417, %get3A_418] {strides = array<i32>} : memref<6x16x512xf32, #tpu.memory_space<vmem>>, vector<16xf32>,
        %mul3A_420 = arith.mulf %get3A_415, %get3A_419 : vector<16xf32>
        %add3A_421 = arith.addf %add3A_411, %mul3A_420 : vector<16xf32>
        %get3A_422 = arith.index_cast %scan3A_156 : i32 to index
        %get3A_423 = arith.index_cast %scan3A_203 : i32 to index
        %get3A_424 = arith.constant 352 : index
        %get3A_425 = tpu.vector_load %arg9[%get3A_422, %get3A_423, %get3A_424] {strides = array<i32>} : memref<6x16x512xf32, #tpu.memory_space<vmem>>, vector<16xf32>,
        %get3A_426 = arith.index_cast %scan3A_156 : i32 to index
        %get3A_427 = arith.index_cast %scan3A_203 : i32 to index
        %get3A_428 = arith.constant 352 : index
        %get3A_429 = tpu.vector_load %arg10[%get3A_426, %get3A_427, %get3A_428] {strides = array<i32>} : memref<6x16x512xf32, #tpu.memory_space<vmem>>, vector<16xf32>,
        %mul3A_430 = arith.mulf %get3A_425, %get3A_429 : vector<16xf32>
        %add3A_431 = arith.addf %add3A_421, %mul3A_430 : vector<16xf32>
        %get3A_432 = arith.index_cast %scan3A_156 : i32 to index
        %get3A_433 = arith.index_cast %scan3A_203 : i32 to index
        %get3A_434 = arith.constant 368 : index
        %get3A_435 = tpu.vector_load %arg9[%get3A_432, %get3A_433, %get3A_434] {strides = array<i32>} : memref<6x16x512xf32, #tpu.memory_space<vmem>>, vector<16xf32>,
        %get3A_436 = arith.index_cast %scan3A_156 : i32 to index
        %get3A_437 = arith.index_cast %scan3A_203 : i32 to index
        %get3A_438 = arith.constant 368 : index
        %get3A_439 = tpu.vector_load %arg10[%get3A_436, %get3A_437, %get3A_438] {strides = array<i32>} : memref<6x16x512xf32, #tpu.memory_space<vmem>>, vector<16xf32>,
        %mul3A_440 = arith.mulf %get3A_435, %get3A_439 : vector<16xf32>
        %add3A_441 = arith.addf %add3A_431, %mul3A_440 : vector<16xf32>
        %get3A_442 = arith.index_cast %scan3A_156 : i32 to index
        %get3A_443 = arith.index_cast %scan3A_203 : i32 to index
        %get3A_444 = arith.constant 384 : index
        %get3A_445 = tpu.vector_load %arg9[%get3A_442, %get3A_443, %get3A_444] {strides = array<i32>} : memref<6x16x512xf32, #tpu.memory_space<vmem>>, vector<16xf32>,
        %get3A_446 = arith.index_cast %scan3A_156 : i32 to index
        %get3A_447 = arith.index_cast %scan3A_203 : i32 to index
        %get3A_448 = arith.constant 384 : index
        %get3A_449 = tpu.vector_load %arg10[%get3A_446, %get3A_447, %get3A_448] {strides = array<i32>} : memref<6x16x512xf32, #tpu.memory_space<vmem>>, vector<16xf32>,
        %mul3A_450 = arith.mulf %get3A_445, %get3A_449 : vector<16xf32>
        %add3A_451 = arith.addf %add3A_441, %mul3A_450 : vector<16xf32>
        %get3A_452 = arith.index_cast %scan3A_156 : i32 to index
        %get3A_453 = arith.index_cast %scan3A_203 : i32 to index
        %get3A_454 = arith.constant 400 : index
        %get3A_455 = tpu.vector_load %arg9[%get3A_452, %get3A_453, %get3A_454] {strides = array<i32>} : memref<6x16x512xf32, #tpu.memory_space<vmem>>, vector<16xf32>,
        %get3A_456 = arith.index_cast %scan3A_156 : i32 to index
        %get3A_457 = arith.index_cast %scan3A_203 : i32 to index
        %get3A_458 = arith.constant 400 : index
        %get3A_459 = tpu.vector_load %arg10[%get3A_456, %get3A_457, %get3A_458] {strides = array<i32>} : memref<6x16x512xf32, #tpu.memory_space<vmem>>, vector<16xf32>,
        %mul3A_460 = arith.mulf %get3A_455, %get3A_459 : vector<16xf32>
        %add3A_461 = arith.addf %add3A_451, %mul3A_460 : vector<16xf32>
        %get3A_462 = arith.index_cast %scan3A_156 : i32 to index
        %get3A_463 = arith.index_cast %scan3A_203 : i32 to index
        %get3A_464 = arith.constant 416 : index
        %get3A_465 = tpu.vector_load %arg9[%get3A_462, %get3A_463, %get3A_464] {strides = array<i32>} : memref<6x16x512xf32, #tpu.memory_space<vmem>>, vector<16xf32>,
        %get3A_466 = arith.index_cast %scan3A_156 : i32 to index
        %get3A_467 = arith.index_cast %scan3A_203 : i32 to index
        %get3A_468 = arith.constant 416 : index
        %get3A_469 = tpu.vector_load %arg10[%get3A_466, %get3A_467, %get3A_468] {strides = array<i32>} : memref<6x16x512xf32, #tpu.memory_space<vmem>>, vector<16xf32>,
        %mul3A_470 = arith.mulf %get3A_465, %get3A_469 : vector<16xf32>
        %add3A_471 = arith.addf %add3A_461, %mul3A_470 : vector<16xf32>
        %get3A_472 = arith.index_cast %scan3A_156 : i32 to index
        %get3A_473 = arith.index_cast %scan3A_203 : i32 to index
        %get3A_474 = arith.constant 432 : index
        %get3A_475 = tpu.vector_load %arg9[%get3A_472, %get3A_473, %get3A_474] {strides = array<i32>} : memref<6x16x512xf32, #tpu.memory_space<vmem>>, vector<16xf32>,
        %get3A_476 = arith.index_cast %scan3A_156 : i32 to index
        %get3A_477 = arith.index_cast %scan3A_203 : i32 to index
        %get3A_478 = arith.constant 432 : index
        %get3A_479 = tpu.vector_load %arg10[%get3A_476, %get3A_477, %get3A_478] {strides = array<i32>} : memref<6x16x512xf32, #tpu.memory_space<vmem>>, vector<16xf32>,
        %mul3A_480 = arith.mulf %get3A_475, %get3A_479 : vector<16xf32>
        %add3A_481 = arith.addf %add3A_471, %mul3A_480 : vector<16xf32>
        %get3A_482 = arith.index_cast %scan3A_156 : i32 to index
        %get3A_483 = arith.index_cast %scan3A_203 : i32 to index
        %get3A_484 = arith.constant 448 : index
        %get3A_485 = tpu.vector_load %arg9[%get3A_482, %get3A_483, %get3A_484] {strides = array<i32>} : memref<6x16x512xf32, #tpu.memory_space<vmem>>, vector<16xf32>,
        %get3A_486 = arith.index_cast %scan3A_156 : i32 to index
        %get3A_487 = arith.index_cast %scan3A_203 : i32 to index
        %get3A_488 = arith.constant 448 : index
        %get3A_489 = tpu.vector_load %arg10[%get3A_486, %get3A_487, %get3A_488] {strides = array<i32>} : memref<6x16x512xf32, #tpu.memory_space<vmem>>, vector<16xf32>,
        %mul3A_490 = arith.mulf %get3A_485, %get3A_489 : vector<16xf32>
        %add3A_491 = arith.addf %add3A_481, %mul3A_490 : vector<16xf32>
        %get3A_492 = arith.index_cast %scan3A_156 : i32 to index
        %get3A_493 = arith.index_cast %scan3A_203 : i32 to index
        %get3A_494 = arith.constant 464 : index
        %get3A_495 = tpu.vector_load %arg9[%get3A_492, %get3A_493, %get3A_494] {strides = array<i32>} : memref<6x16x512xf32, #tpu.memory_space<vmem>>, vector<16xf32>,
        %get3A_496 = arith.index_cast %scan3A_156 : i32 to index
        %get3A_497 = arith.index_cast %scan3A_203 : i32 to index
        %get3A_498 = arith.constant 464 : index
        %get3A_499 = tpu.vector_load %arg10[%get3A_496, %get3A_497, %get3A_498] {strides = array<i32>} : memref<6x16x512xf32, #tpu.memory_space<vmem>>, vector<16xf32>,
        %mul3A_500 = arith.mulf %get3A_495, %get3A_499 : vector<16xf32>
        %add3A_501 = arith.addf %add3A_491, %mul3A_500 : vector<16xf32>
        %get3A_502 = arith.index_cast %scan3A_156 : i32 to index
        %get3A_503 = arith.index_cast %scan3A_203 : i32 to index
        %get3A_504 = arith.constant 480 : index
        %get3A_505 = tpu.vector_load %arg9[%get3A_502, %get3A_503, %get3A_504] {strides = array<i32>} : memref<6x16x512xf32, #tpu.memory_space<vmem>>, vector<16xf32>,
        %get3A_506 = arith.index_cast %scan3A_156 : i32 to index
        %get3A_507 = arith.index_cast %scan3A_203 : i32 to index
        %get3A_508 = arith.constant 480 : index
        %get3A_509 = tpu.vector_load %arg10[%get3A_506, %get3A_507, %get3A_508] {strides = array<i32>} : memref<6x16x512xf32, #tpu.memory_space<vmem>>, vector<16xf32>,
        %mul3A_510 = arith.mulf %get3A_505, %get3A_509 : vector<16xf32>
        %add3A_511 = arith.addf %add3A_501, %mul3A_510 : vector<16xf32>
        %get3A_512 = arith.index_cast %scan3A_156 : i32 to index
        %get3A_513 = arith.index_cast %scan3A_203 : i32 to index
        %get3A_514 = arith.constant 496 : index
        %get3A_515 = tpu.vector_load %arg9[%get3A_512, %get3A_513, %get3A_514] {strides = array<i32>} : memref<6x16x512xf32, #tpu.memory_space<vmem>>, vector<16xf32>,
        %get3A_516 = arith.index_cast %scan3A_156 : i32 to index
        %get3A_517 = arith.index_cast %scan3A_203 : i32 to index
        %get3A_518 = arith.constant 496 : index
        %get3A_519 = tpu.vector_load %arg10[%get3A_516, %get3A_517, %get3A_518] {strides = array<i32>} : memref<6x16x512xf32, #tpu.memory_space<vmem>>, vector<16xf32>,
        %mul3A_520 = arith.mulf %get3A_515, %get3A_519 : vector<16xf32>
        %add3A_521 = arith.addf %add3A_511, %mul3A_520 : vector<16xf32>
        %mul3A_522 = arith.constant 16 : i32
        %mul3A_523 = arith.muli %scan3A_155, %mul3A_522 : i32
        %add3A_524 = arith.addi %mul3A_523, %scan3A_203 : i32
        %mul3A_525 = arith.constant 16 : i32
        %mul3A_526 = arith.muli %add3A_524, %mul3A_525 : i32
        %swap3A = arith.index_cast %mul3A_526 : i32 to index
        %swap3A_527 = tpu.vector_load %arg11[%swap3A] {strides = array<i32>} : memref<8192xf32, #tpu.memory_space<vmem>>, vector<16xf32>,
        tpu.vector_store %arg11[%swap3A], %add3A_521 {strides = array<i32>} : memref<8192xf32, #tpu.memory_space<vmem>>, vector<16xf32>,
      }
      %scan3A_185 = arith.constant 16 : i32
      %sub3A = arith.constant 1 : i32
      %sub3A_186 = arith.subi %scan3A_156, %sub3A : i32
      %lt3A = arith.constant 0 : i32
      %lt3A_187 = arith.cmpi slt, %sub3A_186, %lt3A : i32
      %add3A_188 = arith.constant 6 : i32
      %add3A_189 = arith.addi %sub3A_186, %add3A_188 : i32
      %select_n3A = arith.select %lt3A_187, %add3A_189, %sub3A_186 : i32
      %add3A_190 = arith.constant 6 : i32
      %add3A_191 = arith.addi %scan3A_155, %add3A_190 : i32
      %sub3A_192 = arith.constant 1 : i32
      %sub3A_193 = arith.subi %add3A_191, %sub3A_192 : i32
      %lt3A_194 = arith.constant 32 : i32
      %lt3A_195 = arith.cmpi slt, %sub3A_193, %lt3A_194 : i32
      %convert_element_type3A = arith.extui %lt3A_195 : i1 to i32
      %cond3A = arith.constant 0 : i32
      %cond3A_196 = arith.cmpi ne, %convert_element_type3A, %cond3A : i32
      scf.if %cond3A_196 {
        %add3A_203 = arith.constant 6 : i32
        %add3A_204 = arith.addi %scan3A_155, %add3A_203 : i32
        %sub3A_205 = arith.constant 1 : i32
        %sub3A_206 = arith.subi %add3A_204, %sub3A_205 : i32
        %mul3A_207 = arith.constant 16 : i32
        %mul3A_208 = arith.muli %sub3A_206, %mul3A_207 : i32
        %dma_start3A_209 = arith.constant 0 : i32
        %dma_start3A_210 = arith.constant 0 : i32
        %dma_start3A_211 = tpu.memref_slice %arg9[%select_n3A, %dma_start3A_209, %dma_start3A_210] : memref<6x16x512xf32, #tpu.memory_space<vmem>> -> memref<1x16x512xf32, #tpu.memory_space<vmem>>
        %dma_start3A_212 = tpu.memref_squeeze %dma_start3A_211 : memref<1x16x512xf32, #tpu.memory_space<vmem>> -> memref<16x512xf32, #tpu.memory_space<vmem>>
        %dma_start3A_213 = tpu.memref_slice %arg7[%mul3A_208] : memref<512xi32, #tpu.memory_space<vmem>> -> memref<16xi32, #tpu.memory_space<vmem>>
        %dma_start3A_214 = arith.constant 0 : i32
        %dma_start3A_215 = arith.constant 0 : i32
        %dma_start3A_216 = tpu.memref_slice %arg2[%dma_start3A_214, %dma_start3A_215] : memref<100000x512xf32, #tpu.memory_space<hbm>> -> memref<100000x512xf32, #tpu.memory_space<hbm>>
        %dma_start3A_217 = tpu.memref_slice %arg13[%select_n3A] : memref<6x!tpu.dma_semaphore, #tpu.memory_space<semaphore_mem>> -> memref<1x!tpu.dma_semaphore, #tpu.memory_space<semaphore_mem>>
        %dma_start3A_218 = tpu.memref_squeeze %dma_start3A_217 : memref<1x!tpu.dma_semaphore, #tpu.memory_space<semaphore_mem>> -> memref<!tpu.dma_semaphore, #tpu.memory_space<semaphore_mem>>
        tpu.enqueue_indirect_dma source(%dma_start3A_216 : memref<100000x512xf32, #tpu.memory_space<hbm>>) target(%dma_start3A_212 : memref<16x512xf32, #tpu.memory_space<vmem>>) offsets(%dma_start3A_213 : memref<16xi32, #tpu.memory_space<vmem>>) semaphore(%dma_start3A_218 : memref<!tpu.dma_semaphore, #tpu.memory_space<semaphore_mem>>)
        %mul3A_219 = arith.constant 16 : i32
        %mul3A_220 = arith.muli %sub3A_206, %mul3A_219 : i32
        %dma_start3A_221 = arith.constant 0 : i32
        %dma_start3A_222 = arith.constant 0 : i32
        %dma_start3A_223 = tpu.memref_slice %arg10[%select_n3A, %dma_start3A_221, %dma_start3A_222] : memref<6x16x512xf32, #tpu.memory_space<vmem>> -> memref<1x16x512xf32, #tpu.memory_space<vmem>>
        %dma_start3A_224 = tpu.memref_squeeze %dma_start3A_223 : memref<1x16x512xf32, #tpu.memory_space<vmem>> -> memref<16x512xf32, #tpu.memory_space<vmem>>
        %dma_start3A_225 = tpu.memref_slice %arg8[%mul3A_220] : memref<512xi32, #tpu.memory_space<vmem>> -> memref<16xi32, #tpu.memory_space<vmem>>
        %dma_start3A_226 = arith.constant 0 : i32
        %dma_start3A_227 = arith.constant 0 : i32
        %dma_start3A_228 = tpu.memref_slice %arg3[%dma_start3A_226, %dma_start3A_227] : memref<100000x512xf32, #tpu.memory_space<hbm>> -> memref<100000x512xf32, #tpu.memory_space<hbm>>
        %dma_start3A_229 = tpu.memref_slice %arg14[%select_n3A] : memref<6x!tpu.dma_semaphore, #tpu.memory_space<semaphore_mem>> -> memref<1x!tpu.dma_semaphore, #tpu.memory_space<semaphore_mem>>
        %dma_start3A_230 = tpu.memref_squeeze %dma_start3A_229 : memref<1x!tpu.dma_semaphore, #tpu.memory_space<semaphore_mem>> -> memref<!tpu.dma_semaphore, #tpu.memory_space<semaphore_mem>>
        tpu.enqueue_indirect_dma source(%dma_start3A_228 : memref<100000x512xf32, #tpu.memory_space<hbm>>) target(%dma_start3A_224 : memref<16x512xf32, #tpu.memory_space<vmem>>) offsets(%dma_start3A_225 : memref<16xi32, #tpu.memory_space<vmem>>) semaphore(%dma_start3A_230 : memref<!tpu.dma_semaphore, #tpu.memory_space<semaphore_mem>>)
      } else {
      }
      %add3A_197 = arith.constant 1 : i32
      %add3A_198 = arith.addi %scan3A_156, %add3A_197 : i32
      %ge3A = arith.constant 6 : i32
      %ge3A_199 = arith.cmpi sge, %add3A_198, %ge3A : i32
      %sub3A_200 = arith.constant 6 : i32
      %sub3A_201 = arith.subi %add3A_198, %sub3A_200 : i32
      %select_n3A_202 = arith.select %ge3A_199, %sub3A_201, %add3A_198 : i32
      scf.yield %select_n3A_202 : i32
    }
    %scan3A_137 = arith.constant 32 : i32
    %iota3A = tpu.iota {dimensions = array<i32: 0>} : vector<16xi32>
    %shift_right_logical3A = arith.constant 2 : i32
    %shift_right_logical3A_138 = vector.broadcast %shift_right_logical3A : i32 to vector<16xi32>
    %shift_right_logical3A_139 = arith.shrui %iota3A, %shift_right_logical3A_138 : vector<16xi32>
    %shift_left3A = arith.constant 4 : i32
    %shift_left3A_140 = vector.broadcast %shift_left3A : i32 to vector<16xi32>
    %shift_left3A_141 = arith.shli %shift_right_logical3A_139, %shift_left3A_140 : vector<16xi32>
    %and3A = arith.constant 3 : i32
    %and3A_142 = vector.broadcast %and3A : i32 to vector<16xi32>
    %and3A_143 = arith.andi %iota3A, %and3A_142 : vector<16xi32>
    %add3A_144 = arith.addi %shift_left3A_141, %and3A_143 : vector<16xi32>
    %scan3A_145 = arith.constant 0 : i32
    %scan3A_146 = arith.constant 0 : i32
    %scan3A_147 = arith.constant 128 : i32
    %scan3A_148 = arith.addi %scan3A_146, %scan3A_147 : i32
    %scan3A_149 = arith.constant 1 : i32
    scf.for %scan3A_155 = %scan3A_146 to %scan3A_148 step %scan3A_149  : i32 {
      %mul3A_156 = arith.constant 64 : i32
      %mul3A_157 = arith.muli %scan3A_155, %mul3A_156 : i32
      %add3A_158 = vector.broadcast %mul3A_157 : i32 to vector<16xi32>
      %add3A_159 = arith.addi %add3A_144, %add3A_158 : vector<16xi32>
      %gather3A = tpu.vector_load_idx %arg11[%add3A_159] : memref<8192xf32, #tpu.memory_space<vmem>>[vector<16xi32>], vector<16xf32>,
      %add3A_160 = arith.constant 4 : i32
      %add3A_161 = vector.broadcast %add3A_160 : i32 to vector<16xi32>
      %add3A_162 = arith.addi %add3A_159, %add3A_161 : vector<16xi32>
      %gather3A_163 = tpu.vector_load_idx %arg11[%add3A_162] : memref<8192xf32, #tpu.memory_space<vmem>>[vector<16xi32>], vector<16xf32>,
      %add3A_164 = arith.addf %gather3A, %gather3A_163 : vector<16xf32>
      %add3A_165 = arith.constant 8 : i32
      %add3A_166 = vector.broadcast %add3A_165 : i32 to vector<16xi32>
      %add3A_167 = arith.addi %add3A_159, %add3A_166 : vector<16xi32>
      %gather3A_168 = tpu.vector_load_idx %arg11[%add3A_167] : memref<8192xf32, #tpu.memory_space<vmem>>[vector<16xi32>], vector<16xf32>,
      %add3A_169 = arith.addf %add3A_164, %gather3A_168 : vector<16xf32>
      %add3A_170 = arith.constant 12 : i32
      %add3A_171 = vector.broadcast %add3A_170 : i32 to vector<16xi32>
      %add3A_172 = arith.addi %add3A_159, %add3A_171 : vector<16xi32>
      %gather3A_173 = tpu.vector_load_idx %arg11[%add3A_172] : memref<8192xf32, #tpu.memory_space<vmem>>[vector<16xi32>], vector<16xf32>,
      %add3A_174 = arith.addf %add3A_169, %gather3A_173 : vector<16xf32>
      %mul3A_175 = arith.constant 16 : i32
      %mul3A_176 = arith.muli %scan3A_155, %mul3A_175 : i32
      %swap3A = arith.index_cast %mul3A_176 : i32 to index
      %swap3A_177 = tpu.vector_load %arg12[%swap3A] {strides = array<i32>} : memref<2048xf32, #tpu.memory_space<vmem>>, vector<16xf32>,
      tpu.vector_store %arg12[%swap3A], %add3A_174 {strides = array<i32>} : memref<2048xf32, #tpu.memory_space<vmem>>, vector<16xf32>,
    }
    %scan3A_150 = arith.constant 128 : i32
    %mul3A_151 = arith.constant 512 : i32
    %mul3A_152 = arith.muli %add3A, %mul3A_151 : i32
    %mul3A_153 = arith.constant 4 : i32
    %mul3A_154 = arith.muli %mul3A_152, %mul3A_153 : i32
    "tpu.region"() ({
      %run_scoped3A = tpu.sem_alloc : memref<!tpu.dma_semaphore, #tpu.memory_space<semaphore_mem>>
      %dma_start3A_155 = tpu.memref_slice %arg6[%mul3A_154] : memref<65536xf32, #tpu.memory_space<hbm>> -> memref<2048xf32, #tpu.memory_space<hbm>>
      %dma_start3A_156 = tpu.memref_slice %arg6[%mul3A_154] : memref<65536xf32, #tpu.memory_space<hbm>> -> memref<2048xf32, #tpu.memory_space<hbm>>
      tpu.enqueue_dma source(%arg12 : memref<2048xf32, #tpu.memory_space<vmem>>) target(%dma_start3A_156 : memref<2048xf32, #tpu.memory_space<hbm>>) target_semaphore(%run_scoped3A : memref<!tpu.dma_semaphore, #tpu.memory_space<semaphore_mem>>)
      %dma_wait3A = tpu.memref_slice %arg6[%mul3A_154] : memref<65536xf32, #tpu.memory_space<hbm>> -> memref<2048xf32, #tpu.memory_space<hbm>>
      %dma_wait3A_157 = tpu.memref_slice %arg6[%mul3A_154] : memref<65536xf32, #tpu.memory_space<hbm>> -> memref<2048xf32, #tpu.memory_space<hbm>>
      tpu.wait_dma2 semaphore(%run_scoped3A : memref<!tpu.dma_semaphore, #tpu.memory_space<semaphore_mem>>) src(%arg12 : memref<2048xf32, #tpu.memory_space<vmem>>) dst(%dma_wait3A_157 : memref<2048xf32, #tpu.memory_space<hbm>>)
      tpu.yield
    }) : () -> ()
    return
  }
}

</mosaic_0001>

<sc_bundles>
// kernel: kernel.3.cloned.1.call-start
scs
__scs_entry_jumppad:
0x0: {  	(pc) =	sbr.rel $0x88, $3  }
0x1: {  	(tag) =	ssettag $0x0;
	lr =	simm.s32 $0x1  }
0x2: {  	[smem:$0x3F9E] =	sst lr;
	_ =	strace $0xD0000000  }
0x3: {  	_ = 	snop  }
0x4: {  	_ = 	snop  }
0x5: {  	_ = 	snop  }
0x6: {  	_ = 	snop  }
0x7: {  	_ = 	snop  }
__scs_overlays_trampoline_lowered:
0x8: {  	[smem:$0x3FAD] =	sst s0  }
0x9: {  	[smem:$0x3FAE] =	sst s1  }
0xa: {  	[smem:$0x3FAF] =	sst s2  }
0xb: {  	[smem:$0x3FB0] =	sst s3  }
0xc: {  	[smem:$0x3FB1] =	sst s4  }
0xd: {  	[smem:$0x3FB2] =	sst s5  }
0xe: {  	[smem:$0x3FB3] =	sst s6  }
0xf: {  	[smem:$0x3FB4] =	sst s7  }
0x10: {  	[smem:$0x3FB5] =	sst s8  }
0x11: {  	[smem:$0x3FB6] =	sst s9;
	s0 =	simm.s32 @!p0 $0x0  }
0x12: {  	s1 =	sld [smem:$0x3F9C];
	s0 =	simm.s32 @p0 $0x1  }
0x13: {  	[smem:$0x3FB7] =	sst s0;
	s0 =	simm.s32 @!p1 $0x0  }
0x14: {  	s2 =	sld [smem:$0x3F9B];
	s0 =	simm.s32 @p1 $0x1  }
0x15: {  	[smem:$0x3FB8] =	sst s0;
	s0 =	simm.s32 @!p2 $0x0  }
0x16: {  	s3 =	sld [smem:$0x3FDB];
	s0 =	simm.s32 @p2 $0x1  }
0x17: {  	s4 =	simm.s32 $0x1BF5;
	[smem:$0x3FBA] =	sst s0  }
0x18: {  	s0 =	sld [smem:$0x3F9D];
	_ =	swait.ge [sflag:s4], $0x0  }
0x19: {  	s7 =	sld [smem:$0x3F9E]  }
0x1a: {  	s8 =	sadd.s32 $0xFFFFE003, lr  }
0x1b: {  	s9 =	sadd.s32 $0xFFFFFEF7, lr;
	s5 =	simm.s32 $0xFFFFFFFF;
	p2 =	slt.u32 s8, $0xFFFFF086  }
0x1c: {  	p1 =	slt.u32 s9, $0xF7A;
	s5 =	simm.s32 @!p2 $0x0  }
0x1d: {  	s5 =	simm.s32 @p1 $0x1;
	p0 =	seq.s32 s7, s2  }
0x1e: {  	s7 =	smul.u32 @!p0 $0xF7A, s2;
	p2 =	seq.s32 @!p0 s5, $0x0  }
0x1f: {  	s9 =	smul.u32 $0xF7A, s1;
	s8 =	simm.s32 @!p0 $0x1BF5;
	p2 =	por !p2, p0  }
0x20: {  	[sflag:s8] =	ssyncset.s32 @!p0 $0xFFFFF086;
	s6 =	sadd.s32 @!p0 s3, s7;
	s7 =	simm.s32 @!p0 $0x108  }
0x21: {  	s3 =	sadd.s32 s3, s9;
	s6 =	sadd.s32 @!p0 $0x88, s6;
	s7 =	simm.s32 @p2 $0x1082  }
0x22: {  	[simem:s7], [sflag:s8] =	dma.local @!p0 [hbm:s6], $0xF7A  }
0x23: {  	s9 =	sor.u32 $0xD0000000, s2;
	s6 =	simm.s32 $0x108;
	_ =	swait.ge @!p0 [sflag:s8], $0x0  }
0x24: {  	s3 =	sadd.s32 $0x88, s3;
	s6 =	simm.s32 @!p1 $0x1082;
	[sflag:s4] =	ssyncset.s32 $0xFFFFF086  }
0x25: {  	[simem:s6], [sflag:s4] =	dma.local [hbm:s3], $0xF7A  }
0x26: {  	[smem:$0x3F9E] =	sst s1;
	(tag) =	ssettag s2;
	_ =	strace s9  }
0x27: {  	s1 =	sld [smem:$0x3FAE]  }
0x28: {  	s2 =	sld [smem:$0x3FAF]  }
0x29: {  	s4 =	sld [smem:$0x3FB1]  }
0x2a: {  	p0 =	seq.s32 s5, $0x0;
	s5 =	sld [smem:$0x3FB2]  }
0x2b: {  	s6 =	sld [smem:$0x3FB3]  }
0x2c: {  	s7 =	sld [smem:$0x3FB4]  }
0x2d: {  	s3 =	simm.s32 $0x108;
	s8 =	sld [smem:$0x3FB5]  }
0x2e: {  	s3 =	simm.s32 @!p0 $0x1082;
	s9 =	sld [smem:$0x3FB6]  }
0x2f: {  	lr =	sadd.s32 s0, s3;
	s0 =	sld [smem:$0x3FAD]  }
0x30: {  	s3 =	sld [smem:$0x3FB0]  }
0x31: {  	[smem:$0x3FB9] =	sst s10  }
0x32: {  	s10 =	sld [smem:$0x3FB7];
	_ =	sdelay $0x3  }
0x33: {  	p0 =	seq.s32 s10, $0x1;
	s10 =	sld [smem:$0x3FB9];
	_ =	sdelay $0x3  }
0x34: {  	[smem:$0x3FB9] =	sst s10  }
0x35: {  	s10 =	sld [smem:$0x3FB8];
	_ =	sdelay $0x3  }
0x36: {  	p1 =	seq.s32 s10, $0x1;
	s10 =	sld [smem:$0x3FB9];
	_ =	sdelay $0x3  }
0x37: {  	[smem:$0x3FB9] =	sst s10  }
0x38: {  	s10 =	sld [smem:$0x3FBA]  }
0x39: {  	_ = 	snop;
	(pc) =	sbr.ind lr, $3  }
0x3a: {  	_ = 	snop  }
0x3b: {  	_ = 	snop  }
0x3c: {  	p2 =	seq.s32 s10, $0x1;
	s10 =	sld [smem:$0x3FB9]  }
0x3d: {  	_ =	shalt  }
0x3e: {  	_ =	shalt  }
0x3f: {  	_ =	shalt  }
0x40: {  	_ =	shalt  }
0x41: {  	_ =	shalt  }
0x42: {  	_ =	shalt  }
0x43: {  	_ =	shalt  }
0x44: {  	_ =	shalt  }
0x45: {  	_ =	shalt  }
0x46: {  	_ =	shalt  }
0x47: {  	_ =	shalt  }
0x48: {  	_ =	shalt  }
0x49: {  	_ =	shalt  }
0x4a: {  	_ =	shalt  }
0x4b: {  	_ =	shalt  }
0x4c: {  	_ =	shalt  }
0x4d: {  	_ =	shalt  }
0x4e: {  	_ =	shalt  }
0x4f: {  	_ =	shalt  }
0x50: {  	_ =	shalt  }
0x51: {  	_ =	shalt  }
0x52: {  	_ =	shalt  }
0x53: {  	_ =	shalt  }
0x54: {  	_ =	shalt  }
0x55: {  	_ =	shalt  }
0x56: {  	_ =	shalt  }
0x57: {  	_ =	shalt  }
0x58: {  	_ =	shalt  }
0x59: {  	_ =	shalt  }
0x5a: {  	_ =	shalt  }
0x5b: {  	_ =	shalt  }
0x5c: {  	_ =	shalt  }
0x5d: {  	_ =	shalt  }
0x5e: {  	_ =	shalt  }
0x5f: {  	_ =	shalt  }
0x60: {  	_ =	shalt  }
0x61: {  	_ =	shalt  }
0x62: {  	_ =	shalt  }
0x63: {  	_ =	shalt  }
0x64: {  	_ =	shalt  }
0x65: {  	_ =	shalt  }
0x66: {  	_ =	shalt  }
0x67: {  	_ =	shalt  }
0x68: {  	_ =	shalt  }
0x69: {  	_ =	shalt  }
0x6a: {  	_ =	shalt  }
0x6b: {  	_ =	shalt  }
0x6c: {  	_ =	shalt  }
0x6d: {  	_ =	shalt  }
0x6e: {  	_ =	shalt  }
0x6f: {  	_ =	shalt  }
0x70: {  	_ =	shalt  }
0x71: {  	_ =	shalt  }
0x72: {  	_ =	shalt  }
0x73: {  	_ =	shalt  }
0x74: {  	_ =	shalt  }
0x75: {  	_ =	shalt  }
0x76: {  	_ =	shalt  }
0x77: {  	_ =	shalt  }
0x78: {  	_ =	shalt  }
0x79: {  	_ =	shalt  }
0x7a: {  	_ =	shalt  }
0x7b: {  	_ =	shalt  }
0x7c: {  	_ =	shalt  }
0x7d: {  	_ =	shalt  }
0x7e: {  	_ =	shalt  }
0x7f: {  	_ =	shalt  }
0x80: {  	_ =	shalt  }
0x81: {  	_ =	shalt  }
0x82: {  	_ =	shalt  }
0x83: {  	_ =	shalt  }
0x84: {  	_ =	shalt  }
0x85: {  	_ =	shalt  }
0x86: {  	_ =	shalt  }
0x87: {  	_ =	shalt  }
.Lfunc_end0:
.L_simem_size_0:
called_computation_lowered:
.L_overlay_start_0:
0x88: {  	s2 =	sld [smem:$0x3FD9]  }
0x89: {  	s3 =	sld [smem:$0x3FFE];
	_ =	sdelay $0x1  }
0x8a: {  	s1 =	srdreg.scid  }
0x8b: {  	s0 =	sand.u32 $0x1, s1  }
0x8c: {  	s17 =	sshll.u32 s0, $0xA;
	s2 =	sadd.s32 s3, s2  }
0x8d: {  	s2 =	sadd.s32 s2, s17  }
0x8e: {  	[smem:$0x3FC5] =	sst s2  }
0x8f: {  	_ = 	snop  }
0x90: {  	s2 =	sld [smem:$0x3FD0];
	(tm) =	ssettm $0x1  }
0x91: {  	s18 =	sld [smem:$0x3FFB];
	_ =	sdelay $0x3  }
0x92: {  	_ =	strace s18  }
0x93: {  	s3 =	sld [smem:$0x3FFC];
	_ =	sdelay $0x3  }
0x94: {  	_ =	strace s3  }
0x95: {  	s3 =	sld [smem:$0x3FFD];
	_ =	sdelay $0x3  }
0x96: {  	_ =	strace s3  }
0x97: {  	_ =	strace $0x8FFFFFFF  }
0x98: {  	s19 =	sld [smem:$0x3FDB];
	_ =	sdelay $0x1  }
0x99: {  	s4 =	simm.s32 $_scs_section_size  }
0x9a: {  	s5 =	simm.s32 $_size__tile_overlayer_lowered;
	s6 =	simm.s32 $_tile_overlayer_lowered  }
0x9b: {  	s22 =	simm.s32 $0x1BFF;
	s21 =	sshll.u32 s6, $0x1;
	s3 =	sadd.s32 s4, s19  }
0x9c: {  	s7 =	simm.s32 $0x0;
	s20 =	sshll.u32 s5, $0x1;
	s5 =	sadd.s32 s21, s3  }
0x9d: {  	[timem:s7], [sflag:s22] =	dma.local [hbm:s5], s20  }
0x9e: {  	_ =	swait.ge [sflag:s22], s20  }
0x9f: {  	s4 =	ssub.s32 $0x0, s20;
	[sflag:s22] =	ssyncset.done $0x0  }
0xa0: {  	[sflag:s22] =	ssyncadd.s32 s4;
	_ =	sdelay $0x1  }
0xa1: {  	s23 =	simm.s32 $0x1B8B  }
0xa2: {  	_ =	swait.ge [sflag:s23], $0x1  }
0xa3: {  	[sflag:s23] =	ssyncset.done $0x0  }
0xa4: {  	s25 =	simm.s32 $0x1B8E;
	s24 =	sld [smem:$0x3FFE];
	[sflag:s23] =	ssyncadd.s32 $0xFFFFFFFF  }
0xa5: {  	s26 =	simm.s32 $execute0_lowered;
	[smem:$0x3FD2] =	sst s25  }
0xa6: {  	s5 =	sshll.u32 s26, $0x1;
	_ =	strace $0x80000046;
	[dreg:$0x1] =	wrdreg $0xFFFFFFFF  }
0xa7: {  	s28 =	simm.s32 $_size_execute0_lowered;
	s3 =	sadd.s32 s3, s5;
	[dreg:$0x0] =	wrdreg $0x0  }
0xa8: {  	s5 =	sshll.u32 s28, $0x1;
	[dreg:$0x2] =	wrdreg s3  }
0xa9: {  	[dreg:$0x3] =	wrdreg s5  }
0xaa: {  	[dreg:$0x4] =	wrdreg $0xC0  }
0xab: {  	_ =	task [dreg:s7], $0x5FFFF  }
0xac: {  	[dreg:$0x1] =	wrdreg $0xFFFFFFFF  }
0xad: {  	[dreg:$0x0] =	wrdreg $0x60  }
0xae: {  	[dreg:$0x2] =	wrdreg s24  }
0xaf: {  	[dreg:$0x3] =	wrdreg s2  }
0xb0: {  	[dreg:$0x4] =	wrdreg $0x9  }
0xb1: {  	_ =	task.clear_ibuf [dreg:s7], $0x5FFFF;
	_ =	strace $0x90000046  }
0xb2: {  	s29 =	simm.s32 $0x9;
	_ =	strace $0x80000048  }
0xb3: {  	_ =	swait.ge [sflag:s29], $0x1  }
0xb4: {  	[sflag:s29] =	ssyncadd.s32 $0xFFFFFFFF  }
0xb5: {  	_ =	strace $0x90000048  }
0xb6: {  	_ =	sfence  }
0xb7: {  	s30 =	sld [smem:$0x0];
	_ =	sdelay $0x2  }
0xb8: {  	s31 =	sshll.u32 s1, $0xD;
	s1 =	sshrl.u32 s1, $0x2  }
0xb9: {  	s3 =	sand.u32 $0x4000, s31;
	s1 =	sadd.s32 s1, s30  }
0xba: {  	s0 =	sor.u32 s3, s0;
	s1 =	sshll.u32 s1, $0x11  }
0xbb: {  	s0 =	sor.u32 s1, s0  }
0xbc: {  	s0 =	sadd.s32 $0x8F2B, s0  }
0xbd: {  	[sflag:s0] =	ssyncadd.remote.s32 $0x1  }
0xbe: {  	_ =	sfence.sel $0xFFFF  }
0xbf: {  	[dreg:$0x0] =	wrdreg $0xFFFFFFFF;
	(pc) =	sbr.abs _section_cstart, $3  }
0xc0: {  	[dreg:$0x1] =	wrdreg $0xFFFFFFFF  }
0xc1: {  	_ =	task.clear_ibuf [dreg:s7], $0x2FFFF;
	_ =	strace $0x9FFFFFFF  }
0xc2: {  	(tm) =	ssettm $0x7FFFFFFF  }
0xc3: {  	_ =	shalt  }
tec
execute0_lowered:
.L_overlay_start_1:
0x0: {  	(tag) =	ssettag $0x1  }
0x1: {  	v0 =	vimm.s32 $0x23222120  }
0x2: {  	v1 =	vimm.s32 $0x33323130;
	v2 =	vimm.s32 $0x3020100;
	v3 =	vimm.s32 $0x13121110  }
0x3: {  	vm0 =	vcmask $0x1F10;
	v4 =	vimm.s32 $0x27262524;
	v0 =	vunpack.c.0.s8.s32 v0  }
0x4: {  	v1 =	vunpack.c.0.s8.s32 v1;
	v2 =	vunpack.c.0.s8.s32 v2;
	v3 =	vunpack.c.0.s8.s32 v3  }
0x5: {  	v5 =	vimm.s32 $0x17161514;
	v6 =	vimm.s32 $0x2B2A2928;
	v7 =	vimm.s32 $0x3B3A3938  }
0x6: {  	v8 =	vimm.s32 $0xB0A0908;
	v0 =	vsel vm0, v1, v0;
	v1 =	vsel vm0, v3, v2  }
0x7: {  	s0 =	rddreg [dreg:$0x0];
	v2 =	vunpack.c.0.s8.s32 v4;
	v3 =	vimm.s32 $0x37363534;
	v4 =	vimm.s32 $0x7060504  }
0x8: {  	s1 =	srdreg.scid;
	s2 =	stileid.u32;
	s9 =	simm.s32 $0xD;
	v5 =	vunpack.c.0.s8.s32 v5;
	v3 =	vunpack.c.0.s8.s32 v3;
	v4 =	vunpack.c.0.s8.s32 v4  }
0x9: {  	s10 =	rddreg [dreg:$0x1];
	v9 =	vimm.s32 $0x1B1A1918;
	v63 =	vimm.s32 $0x1F1E1D1C;
	s28 =	simm.s32 $0x9C00;
	s29 =	simm.s32 $0x14400  }
0xa: {  	s30 =	simm.s32 $0x14C00;
	s31 =	simm.s32 $0x15400;
	s1 =	sand.u32 $0x1, s1;
	v0 =	vcombine.low v1, v0;
	v1 =	vsel vm0, v3, v2;
	v2 =	vsel vm0, v5, v4  }
0xb: {  	s3 =	sshll.u32 s2, $0x1;
	s2 =	simm.s32 $0x0;
	s7 =	sadd.s32 $0x900, s0;
	v3 =	vimm.s32 $0x2F2E2D2C;
	v4 =	vimm.s32 $0x3F3E3D3C;
	v5 =	vunpack.c.0.s8.s32 v7  }
0xc: {  	s8 =	sadd.s32 $0x61B100, s0;
	s11 =	sor.u32 s1, s3;
	[smem:$0x7FF] =	sst s2;
	v7 =	vimm.s32 $0xF0E0D0C;
	v1 =	vcombine.low v2, v1;
	v2 =	vunpack.c.0.s8.s32 v6  }
0xd: {  	s3 =	sadd.s32 $0x800, s0;
	s1 =	ssub.s32 $0x2, s1;
	s4 =	sshll.u32 s11, $0x6;
	v6 =	vunpack.c.0.s8.s32 v8;
	v8 =	vunpack.c.0.s8.s32 v9;
	v3 =	vunpack.c.0.s8.s32 v3  }
0xe: {  	_ =	strace $0x80000047;
	s25 =	sshrl.u32 s1, $0x1;
	s26 =	sshll.u32 s11, $0x8;
	v4 =	vunpack.c.0.s8.s32 v4;
	v7 =	vunpack.c.0.s8.s32 v7;
	v9 =	vunpack.c.0.s8.s32 v63  }
0xf: {  	s11 =	simm.s32 $0x0;
	s6 =	sadd.s32 s4, s0;
	s4 =	sadd.s32 $0x61B000, s0;
	v5 =	vsel vm0, v5, v2;
	v6 =	vsel vm0, v8, v6;
	v8 =	vlaneseq.u32  }
0x10: {  	s0 =	ssub.s32 s1, s25;
	s24 =	sadd.s32 s10, s26;
	s26 =	simm.s32 $0x9400;
	v10 =	vsel vm0, v4, v3;
	v7 =	vsel vm0, v9, v7;
	vm0 =	vmmov $0xffff  }
0x11: {  	s1 =	simm.s32 $0x15C00;
	s10 =	simm.s32 $0x1A400;
	s5 =	sadd.s32 $0xC35800, s6;
	v3 =	vshrl.u32 v8, $0x3;
	v2 =	vand.u32 $0x7, v8;
	v4 =	vor.u32 $0x8, v8  }
0x12: {  	s6 =	sadd.s32 $0xC36000, s6;
	s25 =	smax.u32 s0, $0x1;
	s0 =	simm.s32 $0x18400;
	v5 =	vcombine.low v6, v5;
	v6 =	vcombine.low v7, v10;
	v3 =	vmul.u32 $0x8, v3  }
.LBB2_1:
0x13: {  	[tilespmem:s2], [sflag:$0xD] =	stream.linear.gather [hbm4b:s6+s2], $0x200, $0x38;
	[tilespmem:$0x1AC00] =	vst v63  }
0x14: {  	_ =	swait.ge [sflag:s9], $0x200  }
0x15: {  	[sflag:s9] =	ssyncset.done $0x0  }
0x16: {  	s12 =	simm.s32 $0x200;
	[sflag:s9] =	ssyncadd.s32 $0xFFFFFE00  }
0x17: {  	[tilespmem:s12], [sflag:$0xD] =	stream.linear.gather [hbm4b:s5+s2], $0x200, $0x38;
	[tilespmem:$0x1AC00] =	vst v63  }
0x18: {  	_ =	swait.ge [sflag:s9], $0x200  }
0x19: {  	[sflag:s9] =	ssyncset.done $0x0  }
0x1a: {  	[sflag:s9] =	ssyncadd.s32 $0xFFFFFE00  }
0x1b: {  	v7 =	vld [tilespmem:$0x0];
	_ =	sdelay $0x4  }
0x1c: {  	v8 =	vshll.u32 v7, $0x2  }
0x1d: {  	v7 =	vand.u32 $0x7, v7;
	v8 =	vand.u32 $0xFFFFFFE0, v8  }
0x1e: {  	v7 =	vor.u32 v7, v8  }
0x1f: {  	v8 =	vperm.xlane v7, v2;
	_ =	sdelay $0x1  }
0x20: {  	v8 =	vadd.s32 v3, v8;
	_ =	sdelay $0x1  }
0x21: {  	v7 =	vperm.xlane v7, v4;
	_ =	sdelay $0x1  }
0x22: {  	s23 =	simm.s32 $0x400;
	v7 =	vadd.s32 v3, v7  }
0x23: {  	[tilespmem:s23], [sflag:$0x1] =	stream.indirect_vreg.gather [hbm4b:s3+s2], $0x80, v8, vm0, $0xb8;
	[tilespmem:$0x1AC00] =	vst v63  }
0x24: {  	s13 =	simm.s32 $0xC00  }
0x25: {  	[tilespmem:s13], [sflag:$0x1] =	stream.indirect_vreg.gather [hbm4b:s7+s2], $0x80, v8, vm0, $0xb8;
	[tilespmem:$0x1AC00] =	vst v63  }
0x26: {  	s14 =	simm.s32 $0x1400  }
0x27: {  	[tilespmem:s14], [sflag:$0x1] =	stream.indirect_vreg.gather [hbm4b:s3+s2], $0x80, v7, vm0, $0xb8;
	[tilespmem:$0x1AC00] =	vst v63  }
0x28: {  	s15 =	simm.s32 $0x1C00  }
0x29: {  	[tilespmem:s15], [sflag:$0x1] =	stream.indirect_vreg.gather [hbm4b:s7+s2], $0x80, v7, vm0, $0xb8;
	[tilespmem:$0x1AC00] =	vst v63  }
0x2a: {  	v7 =	vld [tilespmem:$0x200];
	_ =	sdelay $0x4  }
0x2b: {  	v8 =	vshll.u32 v7, $0x2  }
0x2c: {  	v7 =	vand.u32 $0x7, v7;
	v8 =	vand.u32 $0xFFFFFFE0, v8  }
0x2d: {  	v7 =	vor.u32 v7, v8  }
0x2e: {  	v8 =	vperm.xlane v7, v2;
	_ =	sdelay $0x1  }
0x2f: {  	v8 =	vadd.s32 v3, v8;
	_ =	sdelay $0x1  }
0x30: {  	v7 =	vperm.xlane v7, v4;
	_ =	sdelay $0x1  }
0x31: {  	s16 =	simm.s32 $0xC400;
	v7 =	vadd.s32 v3, v7  }
0x32: {  	[tilespmem:s16], [sflag:$0x7] =	stream.indirect_vreg.gather [hbm4b:s4+s2], $0x80, v8, vm0, $0xb8;
	[tilespmem:$0x1AC00] =	vst v63  }
0x33: {  	s17 =	simm.s32 $0xCC00  }
0x34: {  	[tilespmem:s17], [sflag:$0x7] =	stream.indirect_vreg.gather [hbm4b:s8+s2], $0x80, v8, vm0, $0xb8;
	[tilespmem:$0x1AC00] =	vst v63  }
0x35: {  	s18 =	simm.s32 $0xD400  }
0x36: {  	[tilespmem:s18], [sflag:$0x7] =	stream.indirect_vreg.gather [hbm4b:s4+s2], $0x80, v7, vm0, $0xb8;
	[tilespmem:$0x1AC00] =	vst v63  }
0x37: {  	s19 =	simm.s32 $0xDC00  }
0x38: {  	[tilespmem:s19], [sflag:$0x7] =	stream.indirect_vreg.gather [hbm4b:s8+s2], $0x80, v7, vm0, $0xb8;
	[tilespmem:$0x1AC00] =	vst v63  }
0x39: {  	v7 =	vld [tilespmem:$0x10];
	_ =	sdelay $0x4  }
0x3a: {  	v8 =	vshll.u32 v7, $0x2  }
0x3b: {  	v7 =	vand.u32 $0x7, v7;
	v8 =	vand.u32 $0xFFFFFFE0, v8  }
0x3c: {  	v7 =	vor.u32 v7, v8  }
0x3d: {  	v8 =	vperm.xlane v7, v2;
	_ =	sdelay $0x1  }
0x3e: {  	v8 =	vadd.s32 v3, v8;
	_ =	sdelay $0x1  }
0x3f: {  	v7 =	vperm.xlane v7, v4;
	_ =	sdelay $0x1  }
0x40: {  	s20 =	simm.s32 $0x2400;
	v7 =	vadd.s32 v3, v7  }
0x41: {  	[tilespmem:s20], [sflag:$0x2] =	stream.indirect_vreg.gather [hbm4b:s3+s2], $0x80, v8, vm0, $0xb8;
	[tilespmem:$0x1AC00] =	vst v63  }
0x42: {  	s21 =	simm.s32 $0x2C00  }
0x43: {  	[tilespmem:s21], [sflag:$0x2] =	stream.indirect_vreg.gather [hbm4b:s7+s2], $0x80, v8, vm0, $0xb8;
	[tilespmem:$0x1AC00] =	vst v63  }
0x44: {  	s22 =	simm.s32 $0x3400  }
0x45: {  	[tilespmem:s22], [sflag:$0x2] =	stream.indirect_vreg.gather [hbm4b:s3+s2], $0x80, v7, vm0, $0xb8;
	[tilespmem:$0x1AC00] =	vst v63  }
0x46: {  	s23 =	simm.s32 $0x3C00  }
0x47: {  	[tilespmem:s23], [sflag:$0x2] =	stream.indirect_vreg.gather [hbm4b:s7+s2], $0x80, v7, vm0, $0xb8;
	[tilespmem:$0x1AC00] =	vst v63  }
0x48: {  	v7 =	vld [tilespmem:$0x210];
	_ =	sdelay $0x4  }
0x49: {  	v8 =	vshll.u32 v7, $0x2  }
0x4a: {  	v7 =	vand.u32 $0x7, v7;
	v8 =	vand.u32 $0xFFFFFFE0, v8  }
0x4b: {  	v7 =	vor.u32 v7, v8  }
0x4c: {  	v8 =	vperm.xlane v7, v2;
	_ =	sdelay $0x1  }
0x4d: {  	v8 =	vadd.s32 v3, v8;
	_ =	sdelay $0x1  }
0x4e: {  	v7 =	vperm.xlane v7, v4;
	_ =	sdelay $0x1  }
0x4f: {  	s13 =	simm.s32 $0xE400;
	v7 =	vadd.s32 v3, v7  }
0x50: {  	[tilespmem:s13], [sflag:$0x8] =	stream.indirect_vreg.gather [hbm4b:s4+s2], $0x80, v8, vm0, $0xb8;
	[tilespmem:$0x1AC00] =	vst v63  }
0x51: {  	s14 =	simm.s32 $0xEC00  }
0x52: {  	[tilespmem:s14], [sflag:$0x8] =	stream.indirect_vreg.gather [hbm4b:s8+s2], $0x80, v8, vm0, $0xb8;
	[tilespmem:$0x1AC00] =	vst v63  }
0x53: {  	s15 =	simm.s32 $0xF400  }
0x54: {  	[tilespmem:s15], [sflag:$0x8] =	stream.indirect_vreg.gather [hbm4b:s4+s2], $0x80, v7, vm0, $0xb8;
	[tilespmem:$0x1AC00] =	vst v63  }
0x55: {  	s16 =	simm.s32 $0xFC00  }
0x56: {  	[tilespmem:s16], [sflag:$0x8] =	stream.indirect_vreg.gather [hbm4b:s8+s2], $0x80, v7, vm0, $0xb8;
	[tilespmem:$0x1AC00] =	vst v63  }
0x57: {  	v7 =	vld [tilespmem:$0x20];
	_ =	sdelay $0x4  }
0x58: {  	v8 =	vshll.u32 v7, $0x2  }
0x59: {  	v7 =	vand.u32 $0x7, v7;
	v8 =	vand.u32 $0xFFFFFFE0, v8  }
0x5a: {  	v7 =	vor.u32 v7, v8  }
0x5b: {  	v8 =	vperm.xlane v7, v2;
	_ =	sdelay $0x1  }
0x5c: {  	v8 =	vadd.s32 v3, v8;
	_ =	sdelay $0x1  }
0x5d: {  	v7 =	vperm.xlane v7, v4;
	_ =	sdelay $0x1  }
0x5e: {  	s17 =	simm.s32 $0x4400;
	v7 =	vadd.s32 v3, v7  }
0x5f: {  	[tilespmem:s17], [sflag:$0x3] =	stream.indirect_vreg.gather [hbm4b:s3+s2], $0x80, v8, vm0, $0xb8;
	[tilespmem:$0x1AC00] =	vst v63  }
0x60: {  	s18 =	simm.s32 $0x4C00  }
0x61: {  	[tilespmem:s18], [sflag:$0x3] =	stream.indirect_vreg.gather [hbm4b:s7+s2], $0x80, v8, vm0, $0xb8;
	[tilespmem:$0x1AC00] =	vst v63  }
0x62: {  	s19 =	simm.s32 $0x5400  }
0x63: {  	[tilespmem:s19], [sflag:$0x3] =	stream.indirect_vreg.gather [hbm4b:s3+s2], $0x80, v7, vm0, $0xb8;
	[tilespmem:$0x1AC00] =	vst v63  }
0x64: {  	s20 =	simm.s32 $0x5C00  }
0x65: {  	[tilespmem:s20], [sflag:$0x3] =	stream.indirect_vreg.gather [hbm4b:s7+s2], $0x80, v7, vm0, $0xb8;
	[tilespmem:$0x1AC00] =	vst v63  }
0x66: {  	v7 =	vld [tilespmem:$0x220];
	_ =	sdelay $0x4  }
0x67: {  	v8 =	vshll.u32 v7, $0x2  }
0x68: {  	v7 =	vand.u32 $0x7, v7;
	v8 =	vand.u32 $0xFFFFFFE0, v8  }
0x69: {  	v7 =	vor.u32 v7, v8  }
0x6a: {  	v8 =	vperm.xlane v7, v2;
	_ =	sdelay $0x1  }
0x6b: {  	v8 =	vadd.s32 v3, v8;
	_ =	sdelay $0x1  }
0x6c: {  	v7 =	vperm.xlane v7, v4;
	_ =	sdelay $0x1  }
0x6d: {  	s21 =	simm.s32 $0x10400;
	v7 =	vadd.s32 v3, v7  }
0x6e: {  	[tilespmem:s21], [sflag:$0x9] =	stream.indirect_vreg.gather [hbm4b:s4+s2], $0x80, v8, vm0, $0xb8;
	[tilespmem:$0x1AC00] =	vst v63  }
0x6f: {  	s22 =	simm.s32 $0x10C00  }
0x70: {  	[tilespmem:s22], [sflag:$0x9] =	stream.indirect_vreg.gather [hbm4b:s8+s2], $0x80, v8, vm0, $0xb8;
	[tilespmem:$0x1AC00] =	vst v63  }
0x71: {  	s23 =	simm.s32 $0x11400  }
0x72: {  	[tilespmem:s23], [sflag:$0x9] =	stream.indirect_vreg.gather [hbm4b:s4+s2], $0x80, v7, vm0, $0xb8;
	[tilespmem:$0x1AC00] =	vst v63  }
0x73: {  	s13 =	simm.s32 $0x11C00  }
0x74: {  	[tilespmem:s13], [sflag:$0x9] =	stream.indirect_vreg.gather [hbm4b:s8+s2], $0x80, v7, vm0, $0xb8;
	[tilespmem:$0x1AC00] =	vst v63  }
0x75: {  	v7 =	vld [tilespmem:$0x30];
	_ =	sdelay $0x4  }
0x76: {  	v8 =	vshll.u32 v7, $0x2  }
0x77: {  	v7 =	vand.u32 $0x7, v7;
	v8 =	vand.u32 $0xFFFFFFE0, v8  }
0x78: {  	v7 =	vor.u32 v7, v8  }
0x79: {  	v8 =	vperm.xlane v7, v2;
	_ =	sdelay $0x1  }
0x7a: {  	v8 =	vadd.s32 v3, v8;
	_ =	sdelay $0x1  }
0x7b: {  	v7 =	vperm.xlane v7, v4;
	_ =	sdelay $0x1  }
0x7c: {  	s14 =	simm.s32 $0x6400;
	v7 =	vadd.s32 v3, v7  }
0x7d: {  	[tilespmem:s14], [sflag:$0x4] =	stream.indirect_vreg.gather [hbm4b:s3+s2], $0x80, v8, vm0, $0xb8;
	[tilespmem:$0x1AC00] =	vst v63  }
0x7e: {  	s15 =	simm.s32 $0x6C00  }
0x7f: {  	[tilespmem:s15], [sflag:$0x4] =	stream.indirect_vreg.gather [hbm4b:s7+s2], $0x80, v8, vm0, $0xb8;
	[tilespmem:$0x1AC00] =	vst v63  }
0x80: {  	s16 =	simm.s32 $0x7400  }
0x81: {  	[tilespmem:s16], [sflag:$0x4] =	stream.indirect_vreg.gather [hbm4b:s3+s2], $0x80, v7, vm0, $0xb8;
	[tilespmem:$0x1AC00] =	vst v63  }
0x82: {  	s17 =	simm.s32 $0x7C00  }
0x83: {  	[tilespmem:s17], [sflag:$0x4] =	stream.indirect_vreg.gather [hbm4b:s7+s2], $0x80, v7, vm0, $0xb8;
	[tilespmem:$0x1AC00] =	vst v63  }
0x84: {  	v7 =	vld [tilespmem:$0x230];
	_ =	sdelay $0x4  }
0x85: {  	v8 =	vshll.u32 v7, $0x2  }
0x86: {  	v7 =	vand.u32 $0x7, v7;
	v8 =	vand.u32 $0xFFFFFFE0, v8  }
0x87: {  	v7 =	vor.u32 v7, v8  }
0x88: {  	v8 =	vperm.xlane v7, v2;
	_ =	sdelay $0x1  }
0x89: {  	v8 =	vadd.s32 v3, v8;
	_ =	sdelay $0x1  }
0x8a: {  	v7 =	vperm.xlane v7, v4;
	_ =	sdelay $0x1  }
0x8b: {  	s18 =	simm.s32 $0x12400;
	v7 =	vadd.s32 v3, v7  }
0x8c: {  	[tilespmem:s18], [sflag:$0xA] =	stream.indirect_vreg.gather [hbm4b:s4+s2], $0x80, v8, vm0, $0xb8;
	[tilespmem:$0x1AC00] =	vst v63  }
0x8d: {  	s19 =	simm.s32 $0x12C00  }
0x8e: {  	[tilespmem:s19], [sflag:$0xA] =	stream.indirect_vreg.gather [hbm4b:s8+s2], $0x80, v8, vm0, $0xb8;
	[tilespmem:$0x1AC00] =	vst v63  }
0x8f: {  	s20 =	simm.s32 $0x13400  }
0x90: {  	[tilespmem:s20], [sflag:$0xA] =	stream.indirect_vreg.gather [hbm4b:s4+s2], $0x80, v7, vm0, $0xb8;
	[tilespmem:$0x1AC00] =	vst v63  }
0x91: {  	s21 =	simm.s32 $0x13C00  }
0x92: {  	[tilespmem:s21], [sflag:$0xA] =	stream.indirect_vreg.gather [hbm4b:s8+s2], $0x80, v7, vm0, $0xb8;
	[tilespmem:$0x1AC00] =	vst v63  }
0x93: {  	v7 =	vld [tilespmem:$0x40];
	_ =	sdelay $0x4  }
0x94: {  	v8 =	vshll.u32 v7, $0x2  }
0x95: {  	v7 =	vand.u32 $0x7, v7;
	v8 =	vand.u32 $0xFFFFFFE0, v8  }
0x96: {  	v7 =	vor.u32 v7, v8  }
0x97: {  	v8 =	vperm.xlane v7, v2;
	_ =	sdelay $0x1  }
0x98: {  	v8 =	vadd.s32 v3, v8;
	_ =	sdelay $0x1  }
0x99: {  	v7 =	vperm.xlane v7, v4;
	_ =	sdelay $0x1  }
0x9a: {  	s22 =	simm.s32 $0x8400;
	v7 =	vadd.s32 v3, v7  }
0x9b: {  	[tilespmem:s22], [sflag:$0x5] =	stream.indirect_vreg.gather [hbm4b:s3+s2], $0x80, v8, vm0, $0xb8;
	[tilespmem:$0x1AC00] =	vst v63  }
0x9c: {  	s23 =	simm.s32 $0x8C00  }
0x9d: {  	[tilespmem:s23], [sflag:$0x5] =	stream.indirect_vreg.gather [hbm4b:s7+s2], $0x80, v8, vm0, $0xb8;
	[tilespmem:$0x1AC00] =	vst v63  }
0x9e: {  	_ = 	snop  }
0x9f: {  	[tilespmem:s26], [sflag:$0x5] =	stream.indirect_vreg.gather [hbm4b:s3+s2], $0x80, v7, vm0, $0xb8;
	[tilespmem:$0x1AC00] =	vst v63  }
0xa0: {  	_ = 	snop  }
0xa1: {  	[tilespmem:s28], [sflag:$0x5] =	stream.indirect_vreg.gather [hbm4b:s7+s2], $0x80, v7, vm0, $0xb8;
	[tilespmem:$0x1AC00] =	vst v63  }
0xa2: {  	v7 =	vld [tilespmem:$0x240];
	_ =	sdelay $0x4  }
0xa3: {  	v8 =	vshll.u32 v7, $0x2  }
0xa4: {  	v7 =	vand.u32 $0x7, v7;
	v8 =	vand.u32 $0xFFFFFFE0, v8  }
0xa5: {  	v7 =	vor.u32 v7, v8  }
0xa6: {  	v8 =	vperm.xlane v7, v2;
	_ =	sdelay $0x1  }
0xa7: {  	v8 =	vadd.s32 v3, v8;
	_ =	sdelay $0x1  }
0xa8: {  	v7 =	vperm.xlane v7, v4;
	_ =	sdelay $0x1  }
0xa9: {  	v7 =	vadd.s32 v3, v7  }
0xaa: {  	[tilespmem:s29], [sflag:$0xB] =	stream.indirect_vreg.gather [hbm4b:s4+s2], $0x80, v8, vm0, $0xb8;
	[tilespmem:$0x1AC00] =	vst v63  }
0xab: {  	_ = 	snop  }
0xac: {  	[tilespmem:s30], [sflag:$0xB] =	stream.indirect_vreg.gather [hbm4b:s8+s2], $0x80, v8, vm0, $0xb8;
	[tilespmem:$0x1AC00] =	vst v63  }
0xad: {  	_ = 	snop  }
0xae: {  	[tilespmem:s31], [sflag:$0xB] =	stream.indirect_vreg.gather [hbm4b:s4+s2], $0x80, v7, vm0, $0xb8;
	[tilespmem:$0x1AC00] =	vst v63  }
0xaf: {  	s12 =	simm.s32 $0x0;
	s13 =	simm.s32 $0x0  }
0xb0: {  	[tilespmem:s1], [sflag:$0xB] =	stream.indirect_vreg.gather [hbm4b:s8+s2], $0x80, v7, vm0, $0xb8;
	[tilespmem:$0x1AC00] =	vst v63  }
.LBB2_2:
0xb1: {  	s14 =	sadd.s32 $0x1, s13  }
0xb2: {  	_ =	swait.ge [sflag:s14], $0x2000  }
0xb3: {  	[sflag:s14] =	ssyncset.done $0x0  }
0xb4: {  	s17 =	sadd.s32 $0x7, s13;
	s15 =	simm.s32 $0x0;
	[sflag:s14] =	ssyncadd.s32 $0xFFFFE000  }
0xb5: {  	s16 =	sshll.u32 s13, $0xD;
	s18 =	sand.u32 $0x1000, s15;
	_ =	swait.ge [sflag:s17], $0x2000  }
0xb6: {  	s19 =	sand.u32 $0x380, s15;
	s18 =	sor.u32 s16, s18;
	[sflag:s17] =	ssyncset.done $0x0  }
0xb7: {  	s21 =	sor.u32 s19, s18;
	[sflag:s17] =	ssyncadd.s32 $0xFFFFE000  }
0xb8: {  	v7 =	vld [tilespmem:s21+$0xC400]  }
0xb9: {  	v8 =	vld [tilespmem:s21+$0x400]  }
0xba: {  	v9 =	vld [tilespmem:s21+$0x410]  }
0xbb: {  	v10 =	vld [tilespmem:s21+$0xC410]  }
0xbc: {  	v11 =	vld [tilespmem:s21+$0x420]  }
0xbd: {  	v12 =	vld [tilespmem:s21+$0xC420]  }
0xbe: {  	v13 =	vld [tilespmem:s21+$0x430]  }
0xbf: {  	v14 =	vld [tilespmem:s21+$0xC430]  }
0xc0: {  	v56 =	vld [tilespmem:s21+$0x440];
	v7 =	vmul.f32 v7, v8;
	v8 =	vmul.f32 v10, v9  }
0xc1: {  	v57 =	vld [tilespmem:s21+$0xC440]  }
0xc2: {  	v58 =	vld [tilespmem:s21+$0x450];
	v7 =	vadd.f32 v8, v7;
	v8 =	vmul.f32 v12, v11  }
0xc3: {  	v59 =	vld [tilespmem:s21+$0xC450]  }
0xc4: {  	v60 =	vld [tilespmem:s21+$0x460];
	v7 =	vadd.f32 v8, v7;
	v8 =	vmul.f32 v14, v13  }
0xc5: {  	v61 =	vld [tilespmem:s21+$0xC460]  }
0xc6: {  	v62 =	vld [tilespmem:s21+$0x470];
	v7 =	vadd.f32 v8, v7;
	v8 =	vmul.f32 v57, v56  }
0xc7: {  	v63 =	vld [tilespmem:s21+$0xC470]  }
0xc8: {  	v16 =	vld [tilespmem:s21+$0x800];
	v7 =	vadd.f32 v8, v7;
	v8 =	vmul.f32 v59, v58  }
0xc9: {  	v17 =	vld [tilespmem:s21+$0xC800]  }
0xca: {  	v18 =	vld [tilespmem:s21+$0x810];
	v7 =	vadd.f32 v8, v7;
	v8 =	vmul.f32 v61, v60  }
0xcb: {  	v19 =	vld [tilespmem:s21+$0xC810]  }
0xcc: {  	v20 =	vld [tilespmem:s21+$0x820];
	v7 =	vadd.f32 v8, v7;
	v8 =	vmul.f32 v63, v62  }
0xcd: {  	v21 =	vld [tilespmem:s21+$0xC820]  }
0xce: {  	v22 =	vld [tilespmem:s21+$0x830];
	v7 =	vadd.f32 v8, v7;
	v8 =	vmul.f32 v17, v16  }
0xcf: {  	v23 =	vld [tilespmem:s21+$0xC830]  }
0xd0: {  	v24 =	vld [tilespmem:s21+$0x840];
	v7 =	vadd.f32 v8, v7;
	v8 =	vmul.f32 v19, v18  }
0xd1: {  	v25 =	vld [tilespmem:s21+$0xC840]  }
0xd2: {  	v26 =	vld [tilespmem:s21+$0x850];
	v7 =	vadd.f32 v8, v7;
	v8 =	vmul.f32 v21, v20  }
0xd3: {  	v27 =	vld [tilespmem:s21+$0xC850]  }
0xd4: {  	v28 =	vld [tilespmem:s21+$0x860];
	v7 =	vadd.f32 v8, v7;
	v8 =	vmul.f32 v23, v22  }
0xd5: {  	v29 =	vld [tilespmem:s21+$0xC860]  }
0xd6: {  	v30 =	vld [tilespmem:s21+$0x870];
	v7 =	vadd.f32 v8, v7;
	v8 =	vmul.f32 v25, v24  }
0xd7: {  	v31 =	vld [tilespmem:s21+$0xC870]  }
0xd8: {  	v32 =	vld [tilespmem:s21+$0xC00];
	v7 =	vadd.f32 v8, v7;
	v8 =	vmul.f32 v27, v26  }
0xd9: {  	v33 =	vld [tilespmem:s21+$0xCC00]  }
0xda: {  	v34 =	vld [tilespmem:s21+$0xC10];
	v7 =	vadd.f32 v8, v7;
	v8 =	vmul.f32 v29, v28  }
0xdb: {  	v35 =	vld [tilespmem:s21+$0xCC10]  }
0xdc: {  	v36 =	vld [tilespmem:s21+$0xC20];
	v7 =	vadd.f32 v8, v7;
	v8 =	vmul.f32 v31, v30  }
0xdd: {  	v37 =	vld [tilespmem:s21+$0xCC20]  }
0xde: {  	v38 =	vld [tilespmem:s21+$0xC30];
	v7 =	vadd.f32 v8, v7;
	v8 =	vmul.f32 v33, v32  }
0xdf: {  	v39 =	vld [tilespmem:s21+$0xCC30]  }
0xe0: {  	v40 =	vld [tilespmem:s21+$0xC40];
	v7 =	vadd.f32 v8, v7;
	v8 =	vmul.f32 v35, v34  }
0xe1: {  	v41 =	vld [tilespmem:s21+$0xCC40]  }
0xe2: {  	v42 =	vld [tilespmem:s21+$0xC50];
	v7 =	vadd.f32 v8, v7;
	v8 =	vmul.f32 v37, v36  }
0xe3: {  	v43 =	vld [tilespmem:s21+$0xCC50]  }
0xe4: {  	v44 =	vld [tilespmem:s21+$0xC60];
	v7 =	vadd.f32 v8, v7;
	v8 =	vmul.f32 v39, v38  }
0xe5: {  	v45 =	vld [tilespmem:s21+$0xCC60]  }
0xe6: {  	v46 =	vld [tilespmem:s21+$0xC70];
	v7 =	vadd.f32 v8, v7;
	v8 =	vmul.f32 v41, v40  }
0xe7: {  	v47 =	vld [tilespmem:s21+$0xCC70]  }
0xe8: {  	v48 =	vld [tilespmem:s21+$0x1000];
	v7 =	vadd.f32 v8, v7;
	v8 =	vmul.f32 v43, v42  }
0xe9: {  	v49 =	vld [tilespmem:s21+$0xD000]  }
0xea: {  	v50 =	vld [tilespmem:s21+$0x1010];
	v7 =	vadd.f32 v8, v7;
	v8 =	vmul.f32 v45, v44  }
0xeb: {  	v51 =	vld [tilespmem:s21+$0xD010]  }
0xec: {  	v52 =	vld [tilespmem:s21+$0x1020];
	v7 =	vadd.f32 v8, v7;
	v8 =	vmul.f32 v47, v46  }
0xed: {  	v53 =	vld [tilespmem:s21+$0xD020]  }
0xee: {  	v54 =	vld [tilespmem:s21+$0x1030];
	v7 =	vadd.f32 v8, v7;
	v8 =	vmul.f32 v49, v48  }
0xef: {  	v55 =	vld [tilespmem:s21+$0xD030]  }
0xf0: {  	v56 =	vld [tilespmem:s21+$0x1040];
	v7 =	vadd.f32 v8, v7;
	v8 =	vmul.f32 v51, v50  }
0xf1: {  	v57 =	vld [tilespmem:s21+$0xD040]  }
0xf2: {  	v58 =	vld [tilespmem:s21+$0x1050];
	v7 =	vadd.f32 v8, v7;
	v8 =	vmul.f32 v53, v52  }
0xf3: {  	v59 =	vld [tilespmem:s21+$0xD050]  }
0xf4: {  	v60 =	vld [tilespmem:s21+$0x1060];
	v7 =	vadd.f32 v8, v7;
	v8 =	vmul.f32 v55, v54  }
0xf5: {  	v61 =	vld [tilespmem:s21+$0xD060]  }
0xf6: {  	v62 =	vld [tilespmem:s21+$0x1070];
	v7 =	vadd.f32 v8, v7;
	v8 =	vmul.f32 v57, v56  }
0xf7: {  	v63 =	vld [tilespmem:s21+$0xD070]  }
0xf8: {  	v7 =	vadd.f32 v8, v7;
	v8 =	vmul.f32 v59, v58;
	_ =	sdelay $0x1  }
0xf9: {  	v7 =	vadd.f32 v8, v7;
	v8 =	vmul.f32 v61, v60  }
0xfa: {  	s22 =	sshll.u32 s12, $0x8  }
0xfb: {  	s23 =	simm.s32 $0x200;
	s17 =	sand.u32 $0x3FFFFF00, s22;
	v7 =	vadd.f32 v8, v7;
	v8 =	vmul.f32 v63, v62  }
0xfc: {  	s20 =	sand.u32 $0x80, s15;
	s19 =	simm.s32 $0x80;
	s17 =	sadd.s32 $0x18400, s17  }
0xfd: {  	s18 =	sand.u32 $0x1000, s23;
	s20 =	sadd.s32 s20, s17;
	s21 =	sand.u32 $0x70, s15;
	v7 =	vadd.f32 v8, v7  }
0xfe: {  	s18 =	sor.u32 s16, s18;
	s22 =	sand.u32 $0x380, s19;
	s20 =	sadd.s32 s21, s20  }
0xff: {  	s18 =	sor.u32 s22, s18;
	[tilespmem:s20+$0x0] =	vst v7  }
0x100: {  	s20 =	simm.s32 $0x400;
	v7 =	vld [tilespmem:s18+$0xC400]  }
.LBB2_3:
0x101: {  	p0 =	sne.s32 s20, $0x1E00;
	v8 =	vld [tilespmem:s18+$0x400]  }
0x102: {  	v9 =	vld [tilespmem:s18+$0x410]  }
0x103: {  	v10 =	vld [tilespmem:s18+$0xC410]  }
0x104: {  	v11 =	vld [tilespmem:s18+$0x420]  }
0x105: {  	v12 =	vld [tilespmem:s18+$0xC420]  }
0x106: {  	v13 =	vld [tilespmem:s18+$0x430]  }
0x107: {  	v14 =	vld [tilespmem:s18+$0xC430]  }
0x108: {  	v7 =	vmul.f32 v7, v8;
	v8 =	vmul.f32 v10, v9;
	v9 =	vld [tilespmem:s18+$0x440]  }
0x109: {  	v10 =	vld [tilespmem:s18+$0xC440]  }
0x10a: {  	v7 =	vadd.f32 v8, v7;
	v8 =	vmul.f32 v12, v11;
	v11 =	vld [tilespmem:s18+$0x450]  }
0x10b: {  	v12 =	vld [tilespmem:s18+$0xC450]  }
0x10c: {  	v7 =	vadd.f32 v8, v7;
	v8 =	vmul.f32 v14, v13;
	v13 =	vld [tilespmem:s18+$0x460]  }
0x10d: {  	v14 =	vld [tilespmem:s18+$0xC460]  }
0x10e: {  	v7 =	vadd.f32 v8, v7;
	v8 =	vmul.f32 v10, v9;
	v9 =	vld [tilespmem:s18+$0x470]  }
0x10f: {  	v10 =	vld [tilespmem:s18+$0xC470]  }
0x110: {  	v7 =	vadd.f32 v8, v7;
	v8 =	vmul.f32 v12, v11;
	v11 =	vld [tilespmem:s18+$0x800]  }
0x111: {  	v12 =	vld [tilespmem:s18+$0xC800]  }
0x112: {  	v7 =	vadd.f32 v8, v7;
	v8 =	vmul.f32 v14, v13;
	v13 =	vld [tilespmem:s18+$0x810]  }
0x113: {  	v14 =	vld [tilespmem:s18+$0xC810]  }
0x114: {  	v7 =	vadd.f32 v8, v7;
	v8 =	vmul.f32 v10, v9;
	v9 =	vld [tilespmem:s18+$0x820]  }
0x115: {  	v10 =	vld [tilespmem:s18+$0xC820]  }
0x116: {  	v7 =	vadd.f32 v8, v7;
	v8 =	vmul.f32 v12, v11;
	v11 =	vld [tilespmem:s18+$0x830]  }
0x117: {  	v12 =	vld [tilespmem:s18+$0xC830]  }
0x118: {  	v7 =	vadd.f32 v8, v7;
	v8 =	vmul.f32 v14, v13;
	v13 =	vld [tilespmem:s18+$0x840]  }
0x119: {  	v14 =	vld [tilespmem:s18+$0xC840]  }
0x11a: {  	v7 =	vadd.f32 v8, v7;
	v8 =	vmul.f32 v10, v9;
	v9 =	vld [tilespmem:s18+$0x850]  }
0x11b: {  	v10 =	vld [tilespmem:s18+$0xC850]  }
0x11c: {  	v7 =	vadd.f32 v8, v7;
	v8 =	vmul.f32 v12, v11;
	v11 =	vld [tilespmem:s18+$0x860]  }
0x11d: {  	v12 =	vld [tilespmem:s18+$0xC860]  }
0x11e: {  	v7 =	vadd.f32 v8, v7;
	v8 =	vmul.f32 v14, v13;
	v13 =	vld [tilespmem:s18+$0x870]  }
0x11f: {  	v14 =	vld [tilespmem:s18+$0xC870]  }
0x120: {  	v7 =	vadd.f32 v8, v7;
	v8 =	vmul.f32 v10, v9;
	v9 =	vld [tilespmem:s18+$0xC00]  }
0x121: {  	v10 =	vld [tilespmem:s18+$0xCC00]  }
0x122: {  	v7 =	vadd.f32 v8, v7;
	v8 =	vmul.f32 v12, v11;
	v11 =	vld [tilespmem:s18+$0xC10]  }
0x123: {  	v12 =	vld [tilespmem:s18+$0xCC10]  }
0x124: {  	v7 =	vadd.f32 v8, v7;
	v8 =	vmul.f32 v14, v13;
	v13 =	vld [tilespmem:s18+$0xC20]  }
0x125: {  	v14 =	vld [tilespmem:s18+$0xCC20]  }
0x126: {  	v7 =	vadd.f32 v8, v7;
	v8 =	vmul.f32 v10, v9;
	v9 =	vld [tilespmem:s18+$0xC30]  }
0x127: {  	v10 =	vld [tilespmem:s18+$0xCC30]  }
0x128: {  	v7 =	vadd.f32 v8, v7;
	v8 =	vmul.f32 v12, v11;
	v11 =	vld [tilespmem:s18+$0xC40]  }
0x129: {  	v12 =	vld [tilespmem:s18+$0xCC40]  }
0x12a: {  	v7 =	vadd.f32 v8, v7;
	v8 =	vmul.f32 v14, v13;
	v13 =	vld [tilespmem:s18+$0xC50]  }
0x12b: {  	v14 =	vld [tilespmem:s18+$0xCC50]  }
0x12c: {  	v7 =	vadd.f32 v8, v7;
	v8 =	vmul.f32 v10, v9;
	v9 =	vld [tilespmem:s18+$0xC60]  }
0x12d: {  	v10 =	vld [tilespmem:s18+$0xCC60]  }
0x12e: {  	v7 =	vadd.f32 v8, v7;
	v8 =	vmul.f32 v12, v11;
	v11 =	vld [tilespmem:s18+$0xC70]  }
0x12f: {  	v12 =	vld [tilespmem:s18+$0xCC70]  }
0x130: {  	v7 =	vadd.f32 v8, v7;
	v8 =	vmul.f32 v14, v13;
	v13 =	vld [tilespmem:s18+$0x1000]  }
0x131: {  	v14 =	vld [tilespmem:s18+$0xD000]  }
0x132: {  	v7 =	vadd.f32 v8, v7;
	v8 =	vmul.f32 v10, v9;
	v9 =	vld [tilespmem:s18+$0x1010]  }
0x133: {  	v10 =	vld [tilespmem:s18+$0xD010]  }
0x134: {  	v7 =	vadd.f32 v8, v7;
	v8 =	vmul.f32 v12, v11;
	v11 =	vld [tilespmem:s18+$0x1020]  }
0x135: {  	v12 =	vld [tilespmem:s18+$0xD020]  }
0x136: {  	v7 =	vadd.f32 v8, v7;
	v8 =	vmul.f32 v14, v13;
	v13 =	vld [tilespmem:s18+$0x1030]  }
0x137: {  	v14 =	vld [tilespmem:s18+$0xD030]  }
0x138: {  	v7 =	vadd.f32 v8, v7;
	v8 =	vmul.f32 v10, v9;
	v9 =	vld [tilespmem:s18+$0x1040]  }
0x139: {  	v10 =	vld [tilespmem:s18+$0xD040]  }
0x13a: {  	v7 =	vadd.f32 v8, v7;
	v8 =	vmul.f32 v12, v11;
	v11 =	vld [tilespmem:s18+$0x1050]  }
0x13b: {  	v12 =	vld [tilespmem:s18+$0xD050]  }
0x13c: {  	v7 =	vadd.f32 v8, v7;
	v8 =	vmul.f32 v14, v13;
	v13 =	vld [tilespmem:s18+$0x1060]  }
0x13d: {  	v14 =	vld [tilespmem:s18+$0xD060]  }
0x13e: {  	v7 =	vadd.f32 v8, v7;
	v8 =	vmul.f32 v10, v9;
	v9 =	vld [tilespmem:s18+$0x1070]  }
0x13f: {  	v10 =	vld [tilespmem:s18+$0xD070]  }
0x140: {  	v7 =	vadd.f32 v8, v7;
	v8 =	vmul.f32 v12, v11;
	_ =	sdelay $0x1  }
0x141: {  	v7 =	vadd.f32 v8, v7;
	v8 =	vmul.f32 v14, v13;
	_ =	sdelay $0x1  }
0x142: {  	s15 =	sadd.s32 $0x10, s15;
	v7 =	vadd.f32 v8, v7;
	v8 =	vmul.f32 v10, v9  }
.Ltmp0:
0x143: {  	s19 =	sadd.s32 $0x80, s19;
	s18 =	sand.u32 $0x80, s15;
	(pc) =	sbr.rel @p0 .LBB2_3-.Ltmp0, $4  }
0x144: {  	s21 =	sand.u32 $0x1000, s20;
	s22 =	sand.u32 $0x70, s15;
	s18 =	sadd.s32 s18, s17;
	v7 =	vadd.f32 v8, v7  }
0x145: {  	s21 =	sor.u32 s16, s21;
	s23 =	sand.u32 $0x380, s19;
	s22 =	sadd.s32 s22, s18  }
0x146: {  	s18 =	sor.u32 s23, s21;
	[tilespmem:s22+$0x0] =	vst v7  }
0x147: {  	s20 =	sadd.s32 $0x200, s20;
	v7 =	vld [tilespmem:s18+$0xC400]  }
0x148: {  	v8 =	vld [tilespmem:s18+$0x400]  }
0x149: {  	v9 =	vld [tilespmem:s18+$0x410]  }
0x14a: {  	v10 =	vld [tilespmem:s18+$0xC410]  }
0x14b: {  	v11 =	vld [tilespmem:s18+$0x420]  }
0x14c: {  	v12 =	vld [tilespmem:s18+$0xC420]  }
0x14d: {  	v13 =	vld [tilespmem:s18+$0x430]  }
0x14e: {  	v14 =	vld [tilespmem:s18+$0xC430]  }
0x14f: {  	v56 =	vld [tilespmem:s18+$0x440];
	v7 =	vmul.f32 v7, v8;
	v8 =	vmul.f32 v10, v9  }
0x150: {  	v57 =	vld [tilespmem:s18+$0xC440]  }
0x151: {  	v58 =	vld [tilespmem:s18+$0x450];
	v7 =	vadd.f32 v8, v7;
	v8 =	vmul.f32 v12, v11  }
0x152: {  	v59 =	vld [tilespmem:s18+$0xC450]  }
0x153: {  	v60 =	vld [tilespmem:s18+$0x460];
	v7 =	vadd.f32 v8, v7;
	v8 =	vmul.f32 v14, v13  }
0x154: {  	v61 =	vld [tilespmem:s18+$0xC460]  }
0x155: {  	v62 =	vld [tilespmem:s18+$0x470];
	v7 =	vadd.f32 v8, v7;
	v8 =	vmul.f32 v57, v56  }
0x156: {  	v63 =	vld [tilespmem:s18+$0xC470]  }
0x157: {  	v16 =	vld [tilespmem:s18+$0x800];
	v7 =	vadd.f32 v8, v7;
	v8 =	vmul.f32 v59, v58  }
0x158: {  	v17 =	vld [tilespmem:s18+$0xC800]  }
0x159: {  	v18 =	vld [tilespmem:s18+$0x810];
	v7 =	vadd.f32 v8, v7;
	v8 =	vmul.f32 v61, v60  }
0x15a: {  	v19 =	vld [tilespmem:s18+$0xC810]  }
0x15b: {  	v20 =	vld [tilespmem:s18+$0x820];
	v7 =	vadd.f32 v8, v7;
	v8 =	vmul.f32 v63, v62  }
0x15c: {  	v21 =	vld [tilespmem:s18+$0xC820]  }
0x15d: {  	v22 =	vld [tilespmem:s18+$0x830];
	v7 =	vadd.f32 v8, v7;
	v8 =	vmul.f32 v17, v16  }
0x15e: {  	v23 =	vld [tilespmem:s18+$0xC830]  }
0x15f: {  	v24 =	vld [tilespmem:s18+$0x840];
	v7 =	vadd.f32 v8, v7;
	v8 =	vmul.f32 v19, v18  }
0x160: {  	v25 =	vld [tilespmem:s18+$0xC840]  }
0x161: {  	v26 =	vld [tilespmem:s18+$0x850];
	v7 =	vadd.f32 v8, v7;
	v8 =	vmul.f32 v21, v20  }
0x162: {  	v27 =	vld [tilespmem:s18+$0xC850]  }
0x163: {  	v28 =	vld [tilespmem:s18+$0x860];
	v7 =	vadd.f32 v8, v7;
	v8 =	vmul.f32 v23, v22  }
0x164: {  	v29 =	vld [tilespmem:s18+$0xC860]  }
0x165: {  	v30 =	vld [tilespmem:s18+$0x870];
	v7 =	vadd.f32 v8, v7;
	v8 =	vmul.f32 v25, v24  }
0x166: {  	v31 =	vld [tilespmem:s18+$0xC870]  }
0x167: {  	v32 =	vld [tilespmem:s18+$0xC00];
	v7 =	vadd.f32 v8, v7;
	v8 =	vmul.f32 v27, v26  }
0x168: {  	v33 =	vld [tilespmem:s18+$0xCC00]  }
0x169: {  	v34 =	vld [tilespmem:s18+$0xC10];
	v7 =	vadd.f32 v8, v7;
	v8 =	vmul.f32 v29, v28  }
0x16a: {  	v35 =	vld [tilespmem:s18+$0xCC10]  }
0x16b: {  	v36 =	vld [tilespmem:s18+$0xC20];
	v7 =	vadd.f32 v8, v7;
	v8 =	vmul.f32 v31, v30  }
0x16c: {  	v37 =	vld [tilespmem:s18+$0xCC20]  }
0x16d: {  	v38 =	vld [tilespmem:s18+$0xC30];
	v7 =	vadd.f32 v8, v7;
	v8 =	vmul.f32 v33, v32  }
0x16e: {  	v39 =	vld [tilespmem:s18+$0xCC30]  }
0x16f: {  	v40 =	vld [tilespmem:s18+$0xC40];
	v7 =	vadd.f32 v8, v7;
	v8 =	vmul.f32 v35, v34  }
0x170: {  	v41 =	vld [tilespmem:s18+$0xCC40]  }
0x171: {  	v42 =	vld [tilespmem:s18+$0xC50];
	v7 =	vadd.f32 v8, v7;
	v8 =	vmul.f32 v37, v36  }
0x172: {  	v43 =	vld [tilespmem:s18+$0xCC50]  }
0x173: {  	v44 =	vld [tilespmem:s18+$0xC60];
	v7 =	vadd.f32 v8, v7;
	v8 =	vmul.f32 v39, v38  }
0x174: {  	v45 =	vld [tilespmem:s18+$0xCC60]  }
0x175: {  	v46 =	vld [tilespmem:s18+$0xC70];
	v7 =	vadd.f32 v8, v7;
	v8 =	vmul.f32 v41, v40  }
0x176: {  	v47 =	vld [tilespmem:s18+$0xCC70]  }
0x177: {  	v48 =	vld [tilespmem:s18+$0x1000];
	v7 =	vadd.f32 v8, v7;
	v8 =	vmul.f32 v43, v42  }
0x178: {  	v49 =	vld [tilespmem:s18+$0xD000]  }
0x179: {  	v50 =	vld [tilespmem:s18+$0x1010];
	v7 =	vadd.f32 v8, v7;
	v8 =	vmul.f32 v45, v44  }
0x17a: {  	v51 =	vld [tilespmem:s18+$0xD010]  }
0x17b: {  	v52 =	vld [tilespmem:s18+$0x1020];
	v7 =	vadd.f32 v8, v7;
	v8 =	vmul.f32 v47, v46  }
0x17c: {  	v53 =	vld [tilespmem:s18+$0xD020]  }
0x17d: {  	v54 =	vld [tilespmem:s18+$0x1030];
	v7 =	vadd.f32 v8, v7;
	v8 =	vmul.f32 v49, v48  }
0x17e: {  	v55 =	vld [tilespmem:s18+$0xD030]  }
0x17f: {  	v56 =	vld [tilespmem:s18+$0x1040];
	v7 =	vadd.f32 v8, v7;
	v8 =	vmul.f32 v51, v50  }
0x180: {  	v57 =	vld [tilespmem:s18+$0xD040]  }
0x181: {  	v58 =	vld [tilespmem:s18+$0x1050];
	v7 =	vadd.f32 v8, v7;
	v8 =	vmul.f32 v53, v52  }
0x182: {  	v59 =	vld [tilespmem:s18+$0xD050]  }
0x183: {  	v60 =	vld [tilespmem:s18+$0x1060];
	v7 =	vadd.f32 v8, v7;
	v8 =	vmul.f32 v55, v54  }
0x184: {  	v61 =	vld [tilespmem:s18+$0xD060]  }
0x185: {  	v62 =	vld [tilespmem:s18+$0x1070];
	v7 =	vadd.f32 v8, v7;
	v8 =	vmul.f32 v57, v56  }
0x186: {  	v63 =	vld [tilespmem:s18+$0xD070]  }
0x187: {  	v7 =	vadd.f32 v8, v7;
	v8 =	vmul.f32 v59, v58;
	_ =	sdelay $0x1  }
0x188: {  	v7 =	vadd.f32 v8, v7;
	v8 =	vmul.f32 v61, v60;
	_ =	sdelay $0x1  }
0x189: {  	s15 =	sadd.s32 $0x10, s15;
	v7 =	vadd.f32 v8, v7;
	v8 =	vmul.f32 v63, v62  }
0x18a: {  	s16 =	sand.u32 $0x80, s15  }
0x18b: {  	s15 =	sand.u32 $0x70, s15;
	s16 =	sadd.s32 s16, s17;
	v7 =	vadd.f32 v8, v7  }
0x18c: {  	p0 =	sgt.u32 s12, $0x1A;
	s15 =	sadd.s32 s15, s16  }
0x18d: {  	[tilespmem:s15+$0x0] =	vst v7;
	s15 =	sshll.u32 @!p0 s12, $0x4  }
0x18e: {  	v7 =	vld @!p0 [tilespmem:s15+$0x50];
	_ =	sdelay $0x4  }
0x18f: {  	v8 =	vshll.u32 @!p0 v7, $0x2  }
0x190: {  	v9 =	vlaneseq.u32 @!p0;
	v7 =	vand.u32 @!p0 $0x7, v7;
	v8 =	vand.u32 @!p0 $0xFFFFFFE0, v8  }
0x191: {  	v10 =	vshrl.u32 @!p0 v9, $0x3;
	v7 =	vor.u32 @!p0 v7, v8;
	v8 =	vand.u32 @!p0 $0x7, v9  }
0x192: {  	v10 =	vmul.u32 @!p0 $0x8, v10;
	v11 =	vperm.xlane @!p0 v7, v8  }
0x193: {  	s16 =	sadd.s32 @!p0 $0xFFFFFFFF, s13  }
0x194: {  	p1 =	slt.s32 @!p0 s16, $0x0;
	v11 =	vadd.s32 @!p0 v10, v11  }
0x195: {  	s17 =	sadd.s32 @!p0 $0x5, s13;
	p1 =	por !p1, p0;
	v9 =	vor.u32 @!p0 $0x8, v9  }
0x196: {  	s17 =	smov.u32 @p1 s16;
	v7 =	vperm.xlane @!p0 v7, v9  }
0x197: {  	s16 =	sshll.u32 @!p0 s17, $0xD  }
0x198: {  	vm1 =	vmmov @!p0 $0xffff;
	s20 =	simm.s32 @!p0 $0x0;
	s19 =	sadd.s32 @!p0 $0x1, s17;
	s18 =	sor.u32 @!p0 $0x400, s16;
	v7 =	vadd.s32 @!p0 v10, v7  }
0x199: {  	[tilespmem:s18], [sflag:s19] =	stream.indirect_vreg.gather @!p0 [hbm4b:s3+s20], $0x80, v11, vm1, $0xb8;
	[tilespmem:$0x1AC00] =	vst v63  }
0x19a: {  	s18 =	sor.u32 @!p0 $0xC00, s16  }
0x19b: {  	[tilespmem:s18], [sflag:s19] =	stream.indirect_vreg.gather @!p0 [hbm4b:s7+s20], $0x80, v11, vm1, $0xb8;
	[tilespmem:$0x1AC00] =	vst v63  }
0x19c: {  	s18 =	sor.u32 @!p0 $0x1400, s16  }
0x19d: {  	[tilespmem:s18], [sflag:s19] =	stream.indirect_vreg.gather @!p0 [hbm4b:s3+s20], $0x80, v7, vm1, $0xb8;
	[tilespmem:$0x1AC00] =	vst v63  }
0x19e: {  	s18 =	sor.u32 @!p0 $0x1C00, s16  }
0x19f: {  	[tilespmem:s18], [sflag:s19] =	stream.indirect_vreg.gather @!p0 [hbm4b:s7+s20], $0x80, v7, vm1, $0xb8;
	[tilespmem:$0x1AC00] =	vst v63  }
0x1a0: {  	v7 =	vld @!p0 [tilespmem:s15+$0x250];
	_ =	sdelay $0x4  }
0x1a1: {  	v11 =	vshll.u32 @!p0 v7, $0x2  }
0x1a2: {  	v7 =	vand.u32 @!p0 $0x7, v7;
	v11 =	vand.u32 @!p0 $0xFFFFFFE0, v11  }
0x1a3: {  	v7 =	vor.u32 @!p0 v7, v11  }
0x1a4: {  	v8 =	vperm.xlane @!p0 v7, v8;
	_ =	sdelay $0x1  }
0x1a5: {  	v8 =	vadd.s32 @!p0 v10, v8;
	_ =	sdelay $0x1  }
0x1a6: {  	v7 =	vperm.xlane @!p0 v7, v9;
	_ =	sdelay $0x1  }
0x1a7: {  	s17 =	sadd.s32 @!p0 $0x7, s17;
	s15 =	sadd.s32 @!p0 $0xC400, s16;
	v7 =	vadd.s32 @!p0 v10, v7  }
0x1a8: {  	[tilespmem:s15], [sflag:s17] =	stream.indirect_vreg.gather @!p0 [hbm4b:s4+s20], $0x80, v8, vm1, $0xb8;
	[tilespmem:$0x1AC00] =	vst v63  }
0x1a9: {  	s15 =	sadd.s32 @!p0 $0xCC00, s16  }
0x1aa: {  	[tilespmem:s15], [sflag:s17] =	stream.indirect_vreg.gather @!p0 [hbm4b:s8+s20], $0x80, v8, vm1, $0xb8;
	[tilespmem:$0x1AC00] =	vst v63  }
0x1ab: {  	s15 =	sadd.s32 @!p0 $0xD400, s16  }
0x1ac: {  	[tilespmem:s15], [sflag:s17] =	stream.indirect_vreg.gather @!p0 [hbm4b:s4+s20], $0x80, v7, vm1, $0xb8;
	[tilespmem:$0x1AC00] =	vst v63  }
0x1ad: {  	s15 =	sadd.s32 @!p0 $0xDC00, s16  }
0x1ae: {  	[tilespmem:s15], [sflag:s17] =	stream.indirect_vreg.gather @!p0 [hbm4b:s8+s20], $0x80, v7, vm1, $0xb8;
	[tilespmem:$0x1AC00] =	vst v63  }
0x1af: {  	s13 =	sadd.s32 $0xFFFFFFFB, s13;
	s12 =	sadd.s32 $0x1, s12;
	p0 =	sgt.s32 s14, $0x5  }
0x1b0: {  	s14 =	smov.u32 @p0 s13;
	p0 =	sne.s32 s12, $0x20  }
.Ltmp1:
0x1b1: {  	_ = 	snop;
	(pc) =	sbr.rel @p0 .LBB2_2-.Ltmp1, $2  }
0x1b2: {  	_ =	sdelay $0x2  }
0x1b3: {  	s13 =	smov.u32 s14  }
0x1b4: {  	s13 =	simm.s32 $0x0  }
0x1b5: {  	v7 =	vor.u32 s13, v1  }
0x1b6: {  	v8 =	vor.u32 s13, v0;
	_ =	sdelay $0x1  }
0x1b7: {  	v9 =	vor.u32 s13, v5;
	_ =	sdelay $0x1  }
0x1b8: {  	v10 =	vor.u32 s13, v6;
	v7 =	vld.idx.msk [tilespmem:v7+s0+$0x0], $0xffff  }
0x1b9: {  	v8 =	vld.idx.msk [tilespmem:v8+s0+$0x0], $0xffff;
	_ =	sdelay $0x1  }
0x1ba: {  	v11 =	vld.idx.msk [tilespmem:v9+s0+$0x0], $0xffff;
	_ =	sdelay $0x1  }
0x1bb: {  	v9 =	vld.idx.msk [tilespmem:v10+s0+$0x0], $0xffff  }
0x1bc: {  	v8 =	vadd.f32 v7, v8  }
0x1bd: {  	s12 =	simm.s32 $0x40  }
0x1be: {  	v7 =	vor.u32 s12, v1;
	v10 =	vadd.f32 v11, v8  }
0x1bf: {  	s14 =	simm.s32 $0x80;
	v8 =	vor.u32 s12, v0  }
.LBB2_6:
0x1c0: {  	p0 =	sne.s32 s14, $0x1FC0;
	v9 =	vadd.f32 v9, v10  }
0x1c1: {  	v10 =	vor.u32 s12, v5;
	s15 =	sshra.s32 s13, $0x2;
	s13 =	smov.u32 s12;
	s12 =	smov.u32 s14  }
0x1c2: {  	[tilespmem:s15+$0x1A400] =	vst v9  }
0x1c3: {  	v9 =	vor.u32 s13, v6;
	v7 =	vld.idx.msk [tilespmem:v7+s0+$0x0], $0xffff  }
0x1c4: {  	v8 =	vld.idx.msk [tilespmem:v8+s0+$0x0], $0xffff;
	_ =	sdelay $0x1  }
0x1c5: {  	v10 =	vld.idx.msk [tilespmem:v10+s0+$0x0], $0xffff;
	_ =	sdelay $0x1  }
0x1c6: {  	v9 =	vld.idx.msk [tilespmem:v9+s0+$0x0], $0xffff  }
.Ltmp2:
0x1c7: {  	(pc) =	sbr.rel @p0 .LBB2_6-.Ltmp2, $3  }
0x1c8: {  	v8 =	vadd.f32 v7, v8;
	_ =	sdelay $0x1  }
0x1c9: {  	v7 =	vor.u32 s14, v1;
	v10 =	vadd.f32 v10, v8  }
0x1ca: {  	s14 =	sadd.s32 $0x40, s14;
	v8 =	vor.u32 s12, v0  }
0x1cb: {  	_ = 	snop  }
0x1cc: {  	v9 =	vadd.f32 v9, v10  }
0x1cd: {  	v62 =	vor.u32 s12, v5;
	s13 =	sshra.s32 s13, $0x2  }
0x1ce: {  	[tilespmem:s13+$0x1A400] =	vst v9  }
0x1cf: {  	v63 =	vor.u32 s12, v6;
	v7 =	vld.idx.msk [tilespmem:v7+s0+$0x0], $0xffff  }
0x1d0: {  	v8 =	vld.idx.msk [tilespmem:v8+s0+$0x0], $0xffff;
	_ =	sdelay $0x1  }
0x1d1: {  	v10 =	vld.idx.msk [tilespmem:v62+s0+$0x0], $0xffff;
	_ =	sdelay $0x1  }
0x1d2: {  	v9 =	vld.idx.msk [tilespmem:v63+s0+$0x0], $0xffff  }
0x1d3: {  	v7 =	vadd.f32 v7, v8;
	_ =	sdelay $0x1  }
0x1d4: {  	v7 =	vadd.f32 v10, v7;
	_ =	sdelay $0x1  }
0x1d5: {  	s11 =	sadd.s32 $0x1, s11;
	v7 =	vadd.f32 v9, v7  }
0x1d6: {  	s23 =	sshra.s32 s12, $0x2;
	p0 =	sne.s32 s11, s25  }
.Ltmp3:
0x1d7: {  	[tilespmem:s23+$0x1A400] =	vst v7;
	(pc) =	sbr.rel @p0 .LBB2_1-.Ltmp3, $4  }
0x1d8: {  	[hbm4b:s24+s2] =	stream.linear.scatter [tilespmem:s10], [sflag:$0xD], $0x800, $0x38;
	[tilespmem:$0x1AC00] =	vst v63  }
0x1d9: {  	_ =	swait.ge [sflag:s9], $0x800  }
0x1da: {  	[sflag:s9] =	ssyncset.done $0x0  }
0x1db: {  	[sflag:s9] =	ssyncadd.s32 $0xFFFFF800  }
0x1dc: {  	_ =	sfence.sel $0x180000  }
0x1dd: {  	[bflag:$0x0] =	sbarrier.arrive $0xFFFF  }
0x1de: {  	_ =	strace $0x90000047  }
0x1df: {  	s0 =	stileid.u32;
	[bflag:$0x2] =	sbarrier.arrive $0xFFFF  }
0x1e0: {  	p0 =	sne.s32 s0, $0x0;
	s0 =	rddreg [dreg:$0x2]  }
0x1e1: {  	s0 =	sadd.s32 @!p0 $0x100000, s0  }
0x1e2: {  	[sflag:s0] =	ssyncadd.tile.s32 @!p0 $0x1;
	_ =	shalt  }
.Lfunc_end2:
_tile_overlayer_lowered:
.L_overlay_start_2:
0x1e3: {  	(tag) =	ssettag $0x2  }
0x1e4: {  	s0 =	rddreg [dreg:$0x0];
	s2 =	stileid.u32  }
0x1e5: {  	s1 =	rddreg [dreg:$0x1];
	p0 =	sne.s32 s2, $0x0  }
0x1e6: {  	s3 =	rddreg [dreg:$0x2];
	[bflag:$0x3] =	sbarrier.arrive $0xFFFF;
	s2 =	simm.s32 @!p0 $0x1C0D  }
0x1e7: {  	[timem:s3], [sflag:s2] =	dma.local @!p0 [hbm:s0], s1  }
0x1e8: {  	s0 =	simm.s32 @!p0 $0xD  }
0x1e9: {  	_ =	swait.ge @!p0 [sflag:s0], s1  }
0x1ea: {  	s1 =	ssub.s32 @!p0 $0x0, s1;
	[sflag:s0] =	ssyncset.done @!p0 $0x0  }
0x1eb: {  	[sflag:s0] =	ssyncadd.s32 @!p0 s1  }
0x1ec: {  	[bflag:$0x3] =	sbarrier.arrive $0xFFFF  }
0x1ed: {  	_ =	shalt  }

</sc_bundles>
